<compile_context>
chip_gen: v7x
topology: tpu7x:2x2x1
jax: 0.10.2.dev20260603
libtpu: 0.0.44.dev20260713+nightly
codegen_flags: <defaults>
</compile_context>

<pallas_src>
import functools

import jax
import jax.numpy as jnp
from jax import lax
from jax.experimental import pallas as pl
from jax.experimental.pallas import tpu as pltpu
from jax.experimental.pallas import tpu_sc as plsc

NC = 2
NS = 16
NW = NC * NS
CH = 80
CW = 16


def _silu(x):
    return x * (1.0 / (1.0 + jnp.exp(-x)))


def _sc_mesh():
    return plsc.VectorSubcoreMesh(
        core_axis_name="c", subcore_axis_name="s", num_cores=NC, num_subcores=NS
    )


def _sc_gather(h, cpad, row, col):
    E = row.shape[0]
    N, D = h.shape
    EW = E // NW
    NCHK = EW // CH

    @functools.partial(
        pl.kernel,
        out_type=(
            jax.ShapeDtypeStruct((E, D), jnp.float32),
            jax.ShapeDtypeStruct((E, D), jnp.float32),
            jax.ShapeDtypeStruct((E, CW), jnp.float32),
            jax.ShapeDtypeStruct((E, CW), jnp.float32),
        ),
        mesh=_sc_mesh(),
        scratch_types=[
            pltpu.VMEM((2, CH), jnp.int32),
            pltpu.VMEM((2, CH), jnp.int32),
            pltpu.VMEM((2, CH, D), jnp.float32),
            pltpu.VMEM((2, CH, D), jnp.float32),
            pltpu.VMEM((2, CH, CW), jnp.float32),
            pltpu.VMEM((2, CH, CW), jnp.float32),
            pltpu.SemaphoreType.DMA((2,)),
            pltpu.SemaphoreType.DMA((2,)),
        ],
        compiler_params=pltpu.CompilerParams(use_tc_tiling_on_sc=False),
    )
    def k(h_hbm, c_hbm, row_hbm, col_hbm, ohr_hbm, ohc_hbm, ocr_hbm, occ_hbm,
          idxr, idxc, bufhr, bufhc, bufcr, bufcc, gsem, wsem):
        wid = lax.axis_index("s") * NC + lax.axis_index("c")
        wbase = wid * EW

        def wdescs(c, par):
            base = wbase + c * CH
            return (
                pltpu.make_async_copy(bufhr.at[par],
                                      ohr_hbm.at[pl.ds(base, CH)],
                                      wsem.at[par]),
                pltpu.make_async_copy(bufhc.at[par],
                                      ohc_hbm.at[pl.ds(base, CH)],
                                      wsem.at[par]),
                pltpu.make_async_copy(bufcr.at[par],
                                      ocr_hbm.at[pl.ds(base, CH)],
                                      wsem.at[par]),
                pltpu.make_async_copy(bufcc.at[par],
                                      occ_hbm.at[pl.ds(base, CH)],
                                      wsem.at[par]),
            )

        def gdescs(par):
            return (
                pltpu.make_async_copy(h_hbm.at[idxr.at[par]], bufhr.at[par],
                                      gsem.at[par]),
                pltpu.make_async_copy(h_hbm.at[idxc.at[par]], bufhc.at[par],
                                      gsem.at[par]),
                pltpu.make_async_copy(c_hbm.at[idxr.at[par]], bufcr.at[par],
                                      gsem.at[par]),
                pltpu.make_async_copy(c_hbm.at[idxc.at[par]], bufcc.at[par],
                                      gsem.at[par]),
            )

        def start_chunk(c, par):
            base = wbase + c * CH
            pltpu.sync_copy(row_hbm.at[pl.ds(base, CH)], idxr.at[par])
            pltpu.sync_copy(col_hbm.at[pl.ds(base, CH)], idxc.at[par])
            for d in gdescs(par):
                d.start()

        start_chunk(0, 0)

        def body(c, carry):
            par = lax.rem(c, 2)
            npar = 1 - par

            @pl.when(c >= 1)
            def _():
                for d in wdescs(c - 1, npar):
                    d.wait()

            @pl.when(c < NCHK - 1)
            def _():
                start_chunk(c + 1, npar)

            for d in gdescs(par):
                d.wait()
            for d in wdescs(c, par):
                d.start()
            return carry

        lax.fori_loop(0, NCHK, body, 0)
        for d in wdescs(NCHK - 1, (NCHK - 1) % 2):
            d.wait()

    return k(h, cpad, row, col)


def _sc_scatter(msg, cdw, row, zh, zc):
    E = row.shape[0]
    N, D = zh.shape
    EW = E // NW
    NCHK = EW // CH
    RT = N // NS

    @functools.partial(
        pl.kernel,
        out_type=(
            jax.ShapeDtypeStruct((NC * N, D), jnp.float32),
            jax.ShapeDtypeStruct((NC * N, CW), jnp.float32),
        ),
        mesh=_sc_mesh(),
        scratch_types=[
            pltpu.VMEM((2, CH), jnp.int32),
            pltpu.VMEM((2, CH, D), jnp.float32),
            pltpu.VMEM((2, CH, CW), jnp.float32),
            pltpu.SemaphoreType.DMA((2,)),
            pltpu.SemaphoreType.DMA((2,)),
            pltpu.VMEM_SHARED((N, D), jnp.float32),
            pltpu.VMEM_SHARED((N, CW), jnp.float32),
        ],
        compiler_params=pltpu.CompilerParams(use_tc_tiling_on_sc=False),
    )
    def k(msg_hbm, cdw_hbm, row_hbm, zh_hbm, zc_hbm, oh_hbm, oc_hbm,
          idx, bufh, bufc, lsem, ssem, acch, accc):
        cid = lax.axis_index("c")
        sid = lax.axis_index("s")
        wid = sid * NC + cid
        wbase = wid * EW

        def ldescs(c, par):
            base = wbase + c * CH
            return (
                pltpu.make_async_copy(row_hbm.at[pl.ds(base, CH)],
                                      idx.at[par], lsem.at[par]),
                pltpu.make_async_copy(msg_hbm.at[pl.ds(base, CH)],
                                      bufh.at[par], lsem.at[par]),
                pltpu.make_async_copy(cdw_hbm.at[pl.ds(base, CH)],
                                      bufc.at[par], lsem.at[par]),
            )

        for d in ldescs(0, 0):
            d.start()
        pltpu.sync_copy(zh_hbm.at[pl.ds(sid * RT, RT)], acch.at[pl.ds(sid * RT, RT)])
        pltpu.sync_copy(zc_hbm.at[pl.ds(sid * RT, RT)], accc.at[pl.ds(sid * RT, RT)])
        plsc.subcore_barrier()

        def sdescs(par):
            return (
                pltpu.make_async_copy(bufh.at[par], acch.at[idx.at[par]],
                                      ssem.at[par]),
                pltpu.make_async_copy(bufc.at[par], accc.at[idx.at[par]],
                                      ssem.at[par]),
            )

        def body(c, carry):
            par = lax.rem(c, 2)
            npar = 1 - par

            @pl.when(c >= 1)
            def _():
                for d in sdescs(npar):
                    d.wait()

            @pl.when(c < NCHK - 1)
            def _():
                for d in ldescs(c + 1, npar):
                    d.start()

            for d in ldescs(c, par):
                d.wait()
            for d in sdescs(par):
                d.start(add=True)
            return carry

        lax.fori_loop(0, NCHK, body, 0)
        for d in sdescs((NCHK - 1) % 2):
            d.wait()
        plsc.subcore_barrier()
        pltpu.sync_copy(
            acch.at[pl.ds(sid * RT, RT)],
            oh_hbm.at[pl.ds(cid * N + sid * RT, RT)],
        )
        pltpu.sync_copy(
            accc.at[pl.ds(sid * RT, RT)],
            oc_hbm.at[pl.ds(cid * N + sid * RT, RT)],
        )

    return k(msg, cdw, row, zh, zc)


def _tc_edge(hrow, hcol, crow, ccol, Wa, Wb, wr, be1, We2, be2, Wc1, bc1, wc2):
    E, D = hrow.shape
    BE = 1600

    def body(hr_ref, hc_ref, cr_ref, cc_ref, Wa_ref, Wb_ref, wr_ref, be1_ref,
             We2_ref, be2_ref, Wc1_ref, bc1_ref, wc2_ref, om_ref, oc_ref):
        bf = jnp.bfloat16
        cd = cr_ref[...] - cc_ref[...]
        radial = jnp.sum(cd * cd, axis=-1, keepdims=True)
        t1 = _silu(
            jnp.dot(hr_ref[...].astype(bf), Wa_ref[...].astype(bf),
                    preferred_element_type=jnp.float32)
            + jnp.dot(hc_ref[...].astype(bf), Wb_ref[...].astype(bf),
                      preferred_element_type=jnp.float32)
            + radial * wr_ref[...]
            + be1_ref[...]
        )
        msg = _silu(
            jnp.dot(t1.astype(bf), We2_ref[...].astype(bf),
                    preferred_element_type=jnp.float32)
            + be2_ref[...]
        )
        t3 = _silu(
            jnp.dot(msg.astype(bf), Wc1_ref[...].astype(bf),
                    preferred_element_type=jnp.float32)
            + bc1_ref[...]
        )
        cw = jnp.sum(t3 * wc2_ref[...], axis=-1, keepdims=True)
        om_ref[...] = msg
        oc_ref[...] = cd * cw

    wspec = pl.BlockSpec((128, 128), lambda i: (0, 0))
    vspec = pl.BlockSpec((1, 128), lambda i: (0, 0))
    espec = pl.BlockSpec((BE, D), lambda i: (i, 0))
    cspec = pl.BlockSpec((BE, CW), lambda i: (i, 0))
    return pl.pallas_call(
        body,
        grid=(E // BE,),
        in_specs=[
            espec, espec, cspec, cspec,
            wspec, wspec, vspec, vspec, wspec, vspec, wspec, vspec, vspec,
        ],
        out_specs=[espec, cspec],
        out_shape=[
            jax.ShapeDtypeStruct((E, D), jnp.float32),
            jax.ShapeDtypeStruct((E, CW), jnp.float32),
        ],
        compiler_params=pltpu.CompilerParams(
            dimension_semantics=("arbitrary",)
        ),
    )(hrow, hcol, crow, ccol, Wa, Wb, wr, be1, We2, be2, Wc1, bc1, wc2)


def _tc_node(h, cpad, p0h, p1h, p0c, p1c, Wn1a, Wn1b, bn1, Wn2, bn2):
    N, D = h.shape
    BN = 2000

    def body(h_ref, cp_ref, p0h_ref, p1h_ref, p0c_ref, p1c_ref, Wa_ref,
             Wb_ref, b1_ref, W2_ref, b2_ref, oh_ref, oc_ref):
        bf = jnp.bfloat16
        hh = h_ref[...]
        agg = p0h_ref[...] + p1h_ref[...]
        t = _silu(
            jnp.dot(hh.astype(bf), Wa_ref[...].astype(bf),
                    preferred_element_type=jnp.float32)
            + jnp.dot(agg.astype(bf), Wb_ref[...].astype(bf),
                      preferred_element_type=jnp.float32)
            + b1_ref[...]
        )
        oh_ref[...] = (
            jnp.dot(t.astype(bf), W2_ref[...].astype(bf),
                    preferred_element_type=jnp.float32)
            + b2_ref[...]
            + hh
        )
        oc_ref[...] = cp_ref[...] + p0c_ref[...] + p1c_ref[...]

    wspec = pl.BlockSpec((128, 128), lambda i: (0, 0))
    vspec = pl.BlockSpec((1, 128), lambda i: (0, 0))
    nspec = pl.BlockSpec((BN, D), lambda i: (i, 0))
    cspec = pl.BlockSpec((BN, CW), lambda i: (i, 0))
    return pl.pallas_call(
        body,
        grid=(N // BN,),
        in_specs=[nspec, cspec, nspec, nspec, cspec, cspec,
                  wspec, wspec, vspec, wspec, vspec],
        out_specs=[nspec, cspec],
        out_shape=[
            jax.ShapeDtypeStruct((N, D), jnp.float32),
            jax.ShapeDtypeStruct((N, CW), jnp.float32),
        ],
        compiler_params=pltpu.CompilerParams(
            dimension_semantics=("arbitrary",)
        ),
    )(h, cpad, p0h, p1h, p0c, p1c, Wn1a, Wn1b, bn1, Wn2, bn2)


def kernel(h, coords, edge_index, We1, be1, We2, be2, Wn1, bn1, Wn2, bn2, Wc1,
           bc1, Wc2):
    N, D = h.shape
    row = edge_index[0].astype(jnp.int32)
    col = edge_index[1].astype(jnp.int32)
    cpad = jnp.pad(
        coords.astype(jnp.float32), ((0, 0), (0, CW - coords.shape[1]))
    )

    hrow, hcol, crow, ccol = _sc_gather(h, cpad, row, col)

    Wa = We1[0:D]
    Wb = We1[D:2 * D]
    wr = We1[2 * D].reshape(1, D)
    msg, cdw = _tc_edge(
        hrow, hcol, crow, ccol, Wa, Wb, wr, be1.reshape(1, D), We2,
        be2.reshape(1, D), Wc1, bc1.reshape(1, D), Wc2.reshape(1, D),
    )

    zh = jnp.zeros((N, D), jnp.float32)
    zc = jnp.zeros((N, CW), jnp.float32)
    ph, pc = _sc_scatter(msg, cdw, row, zh, zc)

    h_new, coords_new_pad = _tc_node(
        h, cpad, ph[0:N], ph[N:2 * N], pc[0:N], pc[N:2 * N],
        Wn1[0:D], Wn1[D:2 * D], bn1.reshape(1, D), Wn2, bn2.reshape(1, D),
    )
    return h_new, coords_new_pad[:, 0:coords.shape[1]]

# --- scband reference (transcript-rebuilt; emitter-appended) ---
"""Pipeline reference for scband-egnnlayer-83854941487131 (READ-ONLY COPY).

The authoritative reference and input builder live on the scoring server;
editing this copy changes nothing except your own understanding.
"""

import jax, jax.numpy as jnp
import numpy as np

def silu(x):
    return x * jax.nn.sigmoid(x)

def setup_inputs(seed: int = 0) -> dict:
    key = jax.random.key(seed)
    ks = jax.random.split(key, 16)
    N, E, D = 10000, 320000, 128
    h = jax.random.normal(ks[0], (N, D), dtype=jnp.float32)
    coords = jax.random.normal(ks[1], (N, 3), dtype=jnp.float32)
    edge_index = jax.random.randint(ks[2], (2, E), 0, N, dtype=jnp.int64)
    def lin(k, fan_in, fan_out):
        bound = 1.0 / np.sqrt(fan_in)
        return jax.random.uniform(k, (fan_in, fan_out), dtype=jnp.float32, minval=-bound, maxval=bound)
    # edge_mlp: Linear(2D+1, D) SiLU Linear(D, D) SiLU
    We1 = lin(ks[3], 2 * D + 1, D); be1 = jnp.zeros((D,), dtype=jnp.float32)
    We2 = lin(ks[4], D, D); be2 = jnp.zeros((D,), dtype=jnp.float32)
    # node_mlp: Linear(2D, D) SiLU Linear(D, D)
    Wn1 = lin(ks[5], 2 * D, D); bn1 = jnp.zeros((D,), dtype=jnp.float32)
    Wn2 = lin(ks[6], D, D); bn2 = jnp.zeros((D,), dtype=jnp.float32)
    # coord_mlp: Linear(D, D) SiLU Linear(D, 1, bias=False)
    Wc1 = lin(ks[7], D, D); bc1 = jnp.zeros((D,), dtype=jnp.float32)
    Wc2 = lin(ks[8], D, 1)
    return {"h": h, "coords": coords, "edge_index": edge_index,
            "We1": We1, "be1": be1, "We2": We2, "be2": be2,
            "Wn1": Wn1, "bn1": bn1, "Wn2": Wn2, "bn2": bn2,
            "Wc1": Wc1, "bc1": bc1, "Wc2": Wc2}

def reference(h, coords, edge_index, We1, be1, We2, be2, Wn1, bn1, Wn2, bn2, Wc1, bc1, Wc2):
    row = edge_index[0]
    col = edge_index[1]
    coord_diff = coords[row] - coords[col]
    radial = jnp.sum(coord_diff ** 2, axis=1, keepdims=True)
    edge_feat = jnp.concatenate([h[row], h[col], radial], axis=-1)
    edge_msg = silu(silu(edge_feat @ We1 + be1) @ We2 + be2)
    coord_weight = silu(edge_msg @ Wc1 + bc1) @ Wc2
    coord_diff_weighted = coord_diff * coord_weight
    coords_new = coords.at[row].add(coord_diff_weighted)
    agg = jnp.zeros_like(h).at[row].add(edge_msg)
    h_cat = jnp.concatenate([h, agg], axis=-1)
    h_new = silu(h_cat @ Wn1 + bn1) @ Wn2 + bn2
    return (h_new + h, coords_new)

if __name__ == "__main__":
    import jax
    _d = setup_inputs()
    print(jax.jit(kernel)(*tuple(_d.values())))

</pallas_src>

<mosaic_0001>
#map = affine_map<(d0, d1) -> (0, 0)>
#map1 = affine_map<(d0, d1) -> (0)>
module attributes {stable_mosaic.version = 14 : i64} {
  func.func @k(%arg0: i32, %arg1: i32, %arg2: memref<10000x128xf32, #tpu.memory_space<hbm>>, %arg3: memref<10000x16xf32, #tpu.memory_space<hbm>>, %arg4: memref<320000xi32, #tpu.memory_space<hbm>>, %arg5: memref<320000xi32, #tpu.memory_space<hbm>>, %arg6: memref<320000x128xf32, #tpu.memory_space<hbm>>, %arg7: memref<320000x128xf32, #tpu.memory_space<hbm>>, %arg8: memref<320000x16xf32, #tpu.memory_space<hbm>>, %arg9: memref<320000x16xf32, #tpu.memory_space<hbm>>, %arg10: memref<2x80xi32, #tpu.memory_space<vmem>>, %arg11: memref<2x80xi32, #tpu.memory_space<vmem>>, %arg12: memref<2x80x128xf32, #tpu.memory_space<vmem>>, %arg13: memref<2x80x128xf32, #tpu.memory_space<vmem>>, %arg14: memref<2x80x16xf32, #tpu.memory_space<vmem>>, %arg15: memref<2x80x16xf32, #tpu.memory_space<vmem>>, %arg16: memref<2x!tpu.dma_semaphore, #tpu.memory_space<semaphore_mem>>, %arg17: memref<2x!tpu.dma_semaphore, #tpu.memory_space<semaphore_mem>>) attributes {dimension_semantics = [#tpu.dimension_semantics<core_parallel>, #tpu.dimension_semantics<subcore_parallel>], iteration_bounds = array<i64: 2, 16>, scalar_prefetch = 0 : i64, scratch_operands = 8 : i64, tpu.core_type = #tpu.core_type<sc_vector_subcore>, window_params = [{transform_indices = #map}, {transform_indices = #map}, {transform_indices = #map1}, {transform_indices = #map1}, {transform_indices = #map}, {transform_indices = #map}, {transform_indices = #map}, {transform_indices = #map}]} {
    %mul3A = arith.constant 2 : i32
    %mul3A_0 = arith.muli %arg1, %mul3A : i32
    %add3A = arith.addi %mul3A_0, %arg0 : i32
    %mul3A_1 = arith.constant 10000 : i32
    %mul3A_2 = arith.muli %add3A, %mul3A_1 : i32
    %add3A_3 = arith.constant 0 : i32
    %add3A_4 = arith.addi %mul3A_2, %add3A_3 : i32
    %run_scoped3A = arith.constant 0 : i32
    "tpu.region"() ({
      %run_scoped3A_135 = tpu.sem_alloc : memref<!tpu.dma_semaphore, #tpu.memory_space<semaphore_mem>>
      %dma_start3A_136 = arith.constant 0 : i32
      %dma_start3A_137 = tpu.memref_slice %arg10[%run_scoped3A, %dma_start3A_136] : memref<2x80xi32, #tpu.memory_space<vmem>> -> memref<1x80xi32, #tpu.memory_space<vmem>>
      %dma_start3A_138 = tpu.memref_squeeze %dma_start3A_137 : memref<1x80xi32, #tpu.memory_space<vmem>> -> memref<80xi32, #tpu.memory_space<vmem>>
      %dma_start3A_139 = tpu.memref_slice %arg4[%add3A_4] : memref<320000xi32, #tpu.memory_space<hbm>> -> memref<80xi32, #tpu.memory_space<hbm>>
      %dma_start3A_140 = arith.constant 0 : i32
      %dma_start3A_141 = tpu.memref_slice %arg10[%run_scoped3A, %dma_start3A_140] : memref<2x80xi32, #tpu.memory_space<vmem>> -> memref<1x80xi32, #tpu.memory_space<vmem>>
      %dma_start3A_142 = tpu.memref_squeeze %dma_start3A_141 : memref<1x80xi32, #tpu.memory_space<vmem>> -> memref<80xi32, #tpu.memory_space<vmem>>
      %dma_start3A_143 = tpu.memref_slice %arg4[%add3A_4] : memref<320000xi32, #tpu.memory_space<hbm>> -> memref<80xi32, #tpu.memory_space<hbm>>
      tpu.enqueue_dma source(%dma_start3A_143 : memref<80xi32, #tpu.memory_space<hbm>>) target(%dma_start3A_142 : memref<80xi32, #tpu.memory_space<vmem>>) target_semaphore(%run_scoped3A_135 : memref<!tpu.dma_semaphore, #tpu.memory_space<semaphore_mem>>)
      %dma_wait3A_144 = arith.constant 0 : i32
      %dma_wait3A_145 = tpu.memref_slice %arg10[%run_scoped3A, %dma_wait3A_144] : memref<2x80xi32, #tpu.memory_space<vmem>> -> memref<1x80xi32, #tpu.memory_space<vmem>>
      %dma_wait3A_146 = tpu.memref_squeeze %dma_wait3A_145 : memref<1x80xi32, #tpu.memory_space<vmem>> -> memref<80xi32, #tpu.memory_space<vmem>>
      %dma_wait3A_147 = tpu.memref_slice %arg4[%add3A_4] : memref<320000xi32, #tpu.memory_space<hbm>> -> memref<80xi32, #tpu.memory_space<hbm>>
      %dma_wait3A_148 = arith.constant 0 : i32
      %dma_wait3A_149 = tpu.memref_slice %arg10[%run_scoped3A, %dma_wait3A_148] : memref<2x80xi32, #tpu.memory_space<vmem>> -> memref<1x80xi32, #tpu.memory_space<vmem>>
      %dma_wait3A_150 = tpu.memref_squeeze %dma_wait3A_149 : memref<1x80xi32, #tpu.memory_space<vmem>> -> memref<80xi32, #tpu.memory_space<vmem>>
      %dma_wait3A_151 = tpu.memref_slice %arg4[%add3A_4] : memref<320000xi32, #tpu.memory_space<hbm>> -> memref<80xi32, #tpu.memory_space<hbm>>
      tpu.wait_dma2 semaphore(%run_scoped3A_135 : memref<!tpu.dma_semaphore, #tpu.memory_space<semaphore_mem>>) src(%dma_wait3A_151 : memref<80xi32, #tpu.memory_space<hbm>>) dst(%dma_wait3A_150 : memref<80xi32, #tpu.memory_space<vmem>>)
      tpu.yield
    }) : () -> ()
    %run_scoped3A_5 = arith.constant 0 : i32
    "tpu.region"() ({
      %run_scoped3A_135 = tpu.sem_alloc : memref<!tpu.dma_semaphore, #tpu.memory_space<semaphore_mem>>
      %dma_start3A_136 = arith.constant 0 : i32
      %dma_start3A_137 = tpu.memref_slice %arg11[%run_scoped3A_5, %dma_start3A_136] : memref<2x80xi32, #tpu.memory_space<vmem>> -> memref<1x80xi32, #tpu.memory_space<vmem>>
      %dma_start3A_138 = tpu.memref_squeeze %dma_start3A_137 : memref<1x80xi32, #tpu.memory_space<vmem>> -> memref<80xi32, #tpu.memory_space<vmem>>
      %dma_start3A_139 = tpu.memref_slice %arg5[%add3A_4] : memref<320000xi32, #tpu.memory_space<hbm>> -> memref<80xi32, #tpu.memory_space<hbm>>
      %dma_start3A_140 = arith.constant 0 : i32
      %dma_start3A_141 = tpu.memref_slice %arg11[%run_scoped3A_5, %dma_start3A_140] : memref<2x80xi32, #tpu.memory_space<vmem>> -> memref<1x80xi32, #tpu.memory_space<vmem>>
      %dma_start3A_142 = tpu.memref_squeeze %dma_start3A_141 : memref<1x80xi32, #tpu.memory_space<vmem>> -> memref<80xi32, #tpu.memory_space<vmem>>
      %dma_start3A_143 = tpu.memref_slice %arg5[%add3A_4] : memref<320000xi32, #tpu.memory_space<hbm>> -> memref<80xi32, #tpu.memory_space<hbm>>
      tpu.enqueue_dma source(%dma_start3A_143 : memref<80xi32, #tpu.memory_space<hbm>>) target(%dma_start3A_142 : memref<80xi32, #tpu.memory_space<vmem>>) target_semaphore(%run_scoped3A_135 : memref<!tpu.dma_semaphore, #tpu.memory_space<semaphore_mem>>)
      %dma_wait3A_144 = arith.constant 0 : i32
      %dma_wait3A_145 = tpu.memref_slice %arg11[%run_scoped3A_5, %dma_wait3A_144] : memref<2x80xi32, #tpu.memory_space<vmem>> -> memref<1x80xi32, #tpu.memory_space<vmem>>
      %dma_wait3A_146 = tpu.memref_squeeze %dma_wait3A_145 : memref<1x80xi32, #tpu.memory_space<vmem>> -> memref<80xi32, #tpu.memory_space<vmem>>
      %dma_wait3A_147 = tpu.memref_slice %arg5[%add3A_4] : memref<320000xi32, #tpu.memory_space<hbm>> -> memref<80xi32, #tpu.memory_space<hbm>>
      %dma_wait3A_148 = arith.constant 0 : i32
      %dma_wait3A_149 = tpu.memref_slice %arg11[%run_scoped3A_5, %dma_wait3A_148] : memref<2x80xi32, #tpu.memory_space<vmem>> -> memref<1x80xi32, #tpu.memory_space<vmem>>
      %dma_wait3A_150 = tpu.memref_squeeze %dma_wait3A_149 : memref<1x80xi32, #tpu.memory_space<vmem>> -> memref<80xi32, #tpu.memory_space<vmem>>
      %dma_wait3A_151 = tpu.memref_slice %arg5[%add3A_4] : memref<320000xi32, #tpu.memory_space<hbm>> -> memref<80xi32, #tpu.memory_space<hbm>>
      tpu.wait_dma2 semaphore(%run_scoped3A_135 : memref<!tpu.dma_semaphore, #tpu.memory_space<semaphore_mem>>) src(%dma_wait3A_151 : memref<80xi32, #tpu.memory_space<hbm>>) dst(%dma_wait3A_150 : memref<80xi32, #tpu.memory_space<vmem>>)
      tpu.yield
    }) : () -> ()
    %dma_start3A = arith.constant 0 : i32
    %dma_start3A_6 = arith.constant 0 : i32
    %dma_start3A_7 = arith.constant 0 : i32
    %dma_start3A_8 = arith.constant 0 : i32
    %dma_start3A_9 = arith.constant 0 : i32
    %dma_start3A_10 = tpu.memref_slice %arg12[%dma_start3A_6, %dma_start3A_8, %dma_start3A_9] : memref<2x80x128xf32, #tpu.memory_space<vmem>> -> memref<1x80x128xf32, #tpu.memory_space<vmem>>
    %dma_start3A_11 = tpu.memref_squeeze %dma_start3A_10 : memref<1x80x128xf32, #tpu.memory_space<vmem>> -> memref<80x128xf32, #tpu.memory_space<vmem>>
    %dma_start3A_12 = arith.constant 0 : i32
    %dma_start3A_13 = tpu.memref_slice %arg10[%dma_start3A, %dma_start3A_12] : memref<2x80xi32, #tpu.memory_space<vmem>> -> memref<1x80xi32, #tpu.memory_space<vmem>>
    %dma_start3A_14 = tpu.memref_squeeze %dma_start3A_13 : memref<1x80xi32, #tpu.memory_space<vmem>> -> memref<80xi32, #tpu.memory_space<vmem>>
    %dma_start3A_15 = arith.constant 0 : i32
    %dma_start3A_16 = arith.constant 0 : i32
    %dma_start3A_17 = tpu.memref_slice %arg2[%dma_start3A_15, %dma_start3A_16] : memref<10000x128xf32, #tpu.memory_space<hbm>> -> memref<10000x128xf32, #tpu.memory_space<hbm>>
    %dma_start3A_18 = tpu.memref_slice %arg16[%dma_start3A_7] : memref<2x!tpu.dma_semaphore, #tpu.memory_space<semaphore_mem>> -> memref<1x!tpu.dma_semaphore, #tpu.memory_space<semaphore_mem>>
    %dma_start3A_19 = tpu.memref_squeeze %dma_start3A_18 : memref<1x!tpu.dma_semaphore, #tpu.memory_space<semaphore_mem>> -> memref<!tpu.dma_semaphore, #tpu.memory_space<semaphore_mem>>
    tpu.enqueue_indirect_dma source(%dma_start3A_17 : memref<10000x128xf32, #tpu.memory_space<hbm>>) target(%dma_start3A_11 : memref<80x128xf32, #tpu.memory_space<vmem>>) offsets(%dma_start3A_14 : memref<80xi32, #tpu.memory_space<vmem>>) semaphore(%dma_start3A_19 : memref<!tpu.dma_semaphore, #tpu.memory_space<semaphore_mem>>)
    %dma_start3A_20 = arith.constant 0 : i32
    %dma_start3A_21 = arith.constant 0 : i32
    %dma_start3A_22 = arith.constant 0 : i32
    %dma_start3A_23 = arith.constant 0 : i32
    %dma_start3A_24 = arith.constant 0 : i32
    %dma_start3A_25 = tpu.memref_slice %arg13[%dma_start3A_21, %dma_start3A_23, %dma_start3A_24] : memref<2x80x128xf32, #tpu.memory_space<vmem>> -> memref<1x80x128xf32, #tpu.memory_space<vmem>>
    %dma_start3A_26 = tpu.memref_squeeze %dma_start3A_25 : memref<1x80x128xf32, #tpu.memory_space<vmem>> -> memref<80x128xf32, #tpu.memory_space<vmem>>
    %dma_start3A_27 = arith.constant 0 : i32
    %dma_start3A_28 = tpu.memref_slice %arg11[%dma_start3A_20, %dma_start3A_27] : memref<2x80xi32, #tpu.memory_space<vmem>> -> memref<1x80xi32, #tpu.memory_space<vmem>>
    %dma_start3A_29 = tpu.memref_squeeze %dma_start3A_28 : memref<1x80xi32, #tpu.memory_space<vmem>> -> memref<80xi32, #tpu.memory_space<vmem>>
    %dma_start3A_30 = arith.constant 0 : i32
    %dma_start3A_31 = arith.constant 0 : i32
    %dma_start3A_32 = tpu.memref_slice %arg2[%dma_start3A_30, %dma_start3A_31] : memref<10000x128xf32, #tpu.memory_space<hbm>> -> memref<10000x128xf32, #tpu.memory_space<hbm>>
    %dma_start3A_33 = tpu.memref_slice %arg16[%dma_start3A_22] : memref<2x!tpu.dma_semaphore, #tpu.memory_space<semaphore_mem>> -> memref<1x!tpu.dma_semaphore, #tpu.memory_space<semaphore_mem>>
    %dma_start3A_34 = tpu.memref_squeeze %dma_start3A_33 : memref<1x!tpu.dma_semaphore, #tpu.memory_space<semaphore_mem>> -> memref<!tpu.dma_semaphore, #tpu.memory_space<semaphore_mem>>
    tpu.enqueue_indirect_dma source(%dma_start3A_32 : memref<10000x128xf32, #tpu.memory_space<hbm>>) target(%dma_start3A_26 : memref<80x128xf32, #tpu.memory_space<vmem>>) offsets(%dma_start3A_29 : memref<80xi32, #tpu.memory_space<vmem>>) semaphore(%dma_start3A_34 : memref<!tpu.dma_semaphore, #tpu.memory_space<semaphore_mem>>)
    %dma_start3A_35 = arith.constant 0 : i32
    %dma_start3A_36 = arith.constant 0 : i32
    %dma_start3A_37 = arith.constant 0 : i32
    %dma_start3A_38 = arith.constant 0 : i32
    %dma_start3A_39 = arith.constant 0 : i32
    %dma_start3A_40 = tpu.memref_slice %arg14[%dma_start3A_36, %dma_start3A_38, %dma_start3A_39] : memref<2x80x16xf32, #tpu.memory_space<vmem>> -> memref<1x80x16xf32, #tpu.memory_space<vmem>>
    %dma_start3A_41 = tpu.memref_squeeze %dma_start3A_40 : memref<1x80x16xf32, #tpu.memory_space<vmem>> -> memref<80x16xf32, #tpu.memory_space<vmem>>
    %dma_start3A_42 = arith.constant 0 : i32
    %dma_start3A_43 = tpu.memref_slice %arg10[%dma_start3A_35, %dma_start3A_42] : memref<2x80xi32, #tpu.memory_space<vmem>> -> memref<1x80xi32, #tpu.memory_space<vmem>>
    %dma_start3A_44 = tpu.memref_squeeze %dma_start3A_43 : memref<1x80xi32, #tpu.memory_space<vmem>> -> memref<80xi32, #tpu.memory_space<vmem>>
    %dma_start3A_45 = arith.constant 0 : i32
    %dma_start3A_46 = arith.constant 0 : i32
    %dma_start3A_47 = tpu.memref_slice %arg3[%dma_start3A_45, %dma_start3A_46] : memref<10000x16xf32, #tpu.memory_space<hbm>> -> memref<10000x16xf32, #tpu.memory_space<hbm>>
    %dma_start3A_48 = tpu.memref_slice %arg16[%dma_start3A_37] : memref<2x!tpu.dma_semaphore, #tpu.memory_space<semaphore_mem>> -> memref<1x!tpu.dma_semaphore, #tpu.memory_space<semaphore_mem>>
    %dma_start3A_49 = tpu.memref_squeeze %dma_start3A_48 : memref<1x!tpu.dma_semaphore, #tpu.memory_space<semaphore_mem>> -> memref<!tpu.dma_semaphore, #tpu.memory_space<semaphore_mem>>
    tpu.enqueue_indirect_dma source(%dma_start3A_47 : memref<10000x16xf32, #tpu.memory_space<hbm>>) target(%dma_start3A_41 : memref<80x16xf32, #tpu.memory_space<vmem>>) offsets(%dma_start3A_44 : memref<80xi32, #tpu.memory_space<vmem>>) semaphore(%dma_start3A_49 : memref<!tpu.dma_semaphore, #tpu.memory_space<semaphore_mem>>)
    %dma_start3A_50 = arith.constant 0 : i32
    %dma_start3A_51 = arith.constant 0 : i32
    %dma_start3A_52 = arith.constant 0 : i32
    %dma_start3A_53 = arith.constant 0 : i32
    %dma_start3A_54 = arith.constant 0 : i32
    %dma_start3A_55 = tpu.memref_slice %arg15[%dma_start3A_51, %dma_start3A_53, %dma_start3A_54] : memref<2x80x16xf32, #tpu.memory_space<vmem>> -> memref<1x80x16xf32, #tpu.memory_space<vmem>>
    %dma_start3A_56 = tpu.memref_squeeze %dma_start3A_55 : memref<1x80x16xf32, #tpu.memory_space<vmem>> -> memref<80x16xf32, #tpu.memory_space<vmem>>
    %dma_start3A_57 = arith.constant 0 : i32
    %dma_start3A_58 = tpu.memref_slice %arg11[%dma_start3A_50, %dma_start3A_57] : memref<2x80xi32, #tpu.memory_space<vmem>> -> memref<1x80xi32, #tpu.memory_space<vmem>>
    %dma_start3A_59 = tpu.memref_squeeze %dma_start3A_58 : memref<1x80xi32, #tpu.memory_space<vmem>> -> memref<80xi32, #tpu.memory_space<vmem>>
    %dma_start3A_60 = arith.constant 0 : i32
    %dma_start3A_61 = arith.constant 0 : i32
    %dma_start3A_62 = tpu.memref_slice %arg3[%dma_start3A_60, %dma_start3A_61] : memref<10000x16xf32, #tpu.memory_space<hbm>> -> memref<10000x16xf32, #tpu.memory_space<hbm>>
    %dma_start3A_63 = tpu.memref_slice %arg16[%dma_start3A_52] : memref<2x!tpu.dma_semaphore, #tpu.memory_space<semaphore_mem>> -> memref<1x!tpu.dma_semaphore, #tpu.memory_space<semaphore_mem>>
    %dma_start3A_64 = tpu.memref_squeeze %dma_start3A_63 : memref<1x!tpu.dma_semaphore, #tpu.memory_space<semaphore_mem>> -> memref<!tpu.dma_semaphore, #tpu.memory_space<semaphore_mem>>
    tpu.enqueue_indirect_dma source(%dma_start3A_62 : memref<10000x16xf32, #tpu.memory_space<hbm>>) target(%dma_start3A_56 : memref<80x16xf32, #tpu.memory_space<vmem>>) offsets(%dma_start3A_59 : memref<80xi32, #tpu.memory_space<vmem>>) semaphore(%dma_start3A_64 : memref<!tpu.dma_semaphore, #tpu.memory_space<semaphore_mem>>)
    %scan3A = arith.constant 0 : i32
    %scan3A_65 = arith.constant 0 : i32
    %scan3A_66 = arith.constant 125 : i32
    %scan3A_67 = arith.addi %scan3A_65, %scan3A_66 : i32
    %scan3A_68 = arith.constant 1 : i32
    scf.for %scan3A_135 = %scan3A_65 to %scan3A_67 step %scan3A_68  : i32 {
      %rem3A = arith.constant 2 : i32
      %rem3A_136 = arith.remsi %scan3A_135, %rem3A : i32
      %sub3A = arith.constant 1 : i32
      %sub3A_137 = arith.subi %sub3A, %rem3A_136 : i32
      %ge3A = arith.constant 1 : i32
      %ge3A_138 = arith.cmpi sge, %scan3A_135, %ge3A : i32
      %convert_element_type3A = arith.extui %ge3A_138 : i1 to i32
      %cond3A = arith.constant 0 : i32
      %cond3A_139 = arith.cmpi ne, %convert_element_type3A, %cond3A : i32
      scf.if %cond3A_139 {
        %sub3A_251 = arith.constant 1 : i32
        %sub3A_252 = arith.subi %scan3A_135, %sub3A_251 : i32
        %mul3A_253 = arith.constant 80 : i32
        %mul3A_254 = arith.muli %sub3A_252, %mul3A_253 : i32
        %add3A_255 = arith.addi %mul3A_2, %mul3A_254 : i32
        %dma_wait3A_256 = arith.constant 0 : i32
        %dma_wait3A_257 = arith.constant 0 : i32
        %dma_wait3A_258 = tpu.memref_slice %arg12[%sub3A_137, %dma_wait3A_256, %dma_wait3A_257] : memref<2x80x128xf32, #tpu.memory_space<vmem>> -> memref<1x80x128xf32, #tpu.memory_space<vmem>>
        %dma_wait3A_259 = tpu.memref_squeeze %dma_wait3A_258 : memref<1x80x128xf32, #tpu.memory_space<vmem>> -> memref<80x128xf32, #tpu.memory_space<vmem>>
        %dma_wait3A_260 = arith.constant 0 : i32
        %dma_wait3A_261 = tpu.memref_slice %arg6[%add3A_255, %dma_wait3A_260] : memref<320000x128xf32, #tpu.memory_space<hbm>> -> memref<80x128xf32, #tpu.memory_space<hbm>>
        %dma_wait3A_262 = tpu.memref_slice %arg17[%sub3A_137] : memref<2x!tpu.dma_semaphore, #tpu.memory_space<semaphore_mem>> -> memref<1x!tpu.dma_semaphore, #tpu.memory_space<semaphore_mem>>
        %dma_wait3A_263 = tpu.memref_squeeze %dma_wait3A_262 : memref<1x!tpu.dma_semaphore, #tpu.memory_space<semaphore_mem>> -> memref<!tpu.dma_semaphore, #tpu.memory_space<semaphore_mem>>
        %dma_wait3A_264 = arith.constant 0 : i32
        %dma_wait3A_265 = tpu.memref_slice %arg6[%add3A_255, %dma_wait3A_264] : memref<320000x128xf32, #tpu.memory_space<hbm>> -> memref<80x128xf32, #tpu.memory_space<hbm>>
        %dma_wait3A_266 = arith.constant 0 : i32
        %dma_wait3A_267 = arith.constant 0 : i32
        %dma_wait3A_268 = tpu.memref_slice %arg12[%sub3A_137, %dma_wait3A_266, %dma_wait3A_267] : memref<2x80x128xf32, #tpu.memory_space<vmem>> -> memref<1x80x128xf32, #tpu.memory_space<vmem>>
        %dma_wait3A_269 = tpu.memref_squeeze %dma_wait3A_268 : memref<1x80x128xf32, #tpu.memory_space<vmem>> -> memref<80x128xf32, #tpu.memory_space<vmem>>
        tpu.wait_dma2 semaphore(%dma_wait3A_263 : memref<!tpu.dma_semaphore, #tpu.memory_space<semaphore_mem>>) src(%dma_wait3A_269 : memref<80x128xf32, #tpu.memory_space<vmem>>) dst(%dma_wait3A_265 : memref<80x128xf32, #tpu.memory_space<hbm>>)
        %dma_wait3A_270 = arith.constant 0 : i32
        %dma_wait3A_271 = arith.constant 0 : i32
        %dma_wait3A_272 = tpu.memref_slice %arg13[%sub3A_137, %dma_wait3A_270, %dma_wait3A_271] : memref<2x80x128xf32, #tpu.memory_space<vmem>> -> memref<1x80x128xf32, #tpu.memory_space<vmem>>
        %dma_wait3A_273 = tpu.memref_squeeze %dma_wait3A_272 : memref<1x80x128xf32, #tpu.memory_space<vmem>> -> memref<80x128xf32, #tpu.memory_space<vmem>>
        %dma_wait3A_274 = arith.constant 0 : i32
        %dma_wait3A_275 = tpu.memref_slice %arg7[%add3A_255, %dma_wait3A_274] : memref<320000x128xf32, #tpu.memory_space<hbm>> -> memref<80x128xf32, #tpu.memory_space<hbm>>
        %dma_wait3A_276 = tpu.memref_slice %arg17[%sub3A_137] : memref<2x!tpu.dma_semaphore, #tpu.memory_space<semaphore_mem>> -> memref<1x!tpu.dma_semaphore, #tpu.memory_space<semaphore_mem>>
        %dma_wait3A_277 = tpu.memref_squeeze %dma_wait3A_276 : memref<1x!tpu.dma_semaphore, #tpu.memory_space<semaphore_mem>> -> memref<!tpu.dma_semaphore, #tpu.memory_space<semaphore_mem>>
        %dma_wait3A_278 = arith.constant 0 : i32
        %dma_wait3A_279 = tpu.memref_slice %arg7[%add3A_255, %dma_wait3A_278] : memref<320000x128xf32, #tpu.memory_space<hbm>> -> memref<80x128xf32, #tpu.memory_space<hbm>>
        %dma_wait3A_280 = arith.constant 0 : i32
        %dma_wait3A_281 = arith.constant 0 : i32
        %dma_wait3A_282 = tpu.memref_slice %arg13[%sub3A_137, %dma_wait3A_280, %dma_wait3A_281] : memref<2x80x128xf32, #tpu.memory_space<vmem>> -> memref<1x80x128xf32, #tpu.memory_space<vmem>>
        %dma_wait3A_283 = tpu.memref_squeeze %dma_wait3A_282 : memref<1x80x128xf32, #tpu.memory_space<vmem>> -> memref<80x128xf32, #tpu.memory_space<vmem>>
        tpu.wait_dma2 semaphore(%dma_wait3A_277 : memref<!tpu.dma_semaphore, #tpu.memory_space<semaphore_mem>>) src(%dma_wait3A_283 : memref<80x128xf32, #tpu.memory_space<vmem>>) dst(%dma_wait3A_279 : memref<80x128xf32, #tpu.memory_space<hbm>>)
        %dma_wait3A_284 = arith.constant 0 : i32
        %dma_wait3A_285 = arith.constant 0 : i32
        %dma_wait3A_286 = tpu.memref_slice %arg14[%sub3A_137, %dma_wait3A_284, %dma_wait3A_285] : memref<2x80x16xf32, #tpu.memory_space<vmem>> -> memref<1x80x16xf32, #tpu.memory_space<vmem>>
        %dma_wait3A_287 = tpu.memref_squeeze %dma_wait3A_286 : memref<1x80x16xf32, #tpu.memory_space<vmem>> -> memref<80x16xf32, #tpu.memory_space<vmem>>
        %dma_wait3A_288 = arith.constant 0 : i32
        %dma_wait3A_289 = tpu.memref_slice %arg8[%add3A_255, %dma_wait3A_288] : memref<320000x16xf32, #tpu.memory_space<hbm>> -> memref<80x16xf32, #tpu.memory_space<hbm>>
        %dma_wait3A_290 = tpu.memref_slice %arg17[%sub3A_137] : memref<2x!tpu.dma_semaphore, #tpu.memory_space<semaphore_mem>> -> memref<1x!tpu.dma_semaphore, #tpu.memory_space<semaphore_mem>>
        %dma_wait3A_291 = tpu.memref_squeeze %dma_wait3A_290 : memref<1x!tpu.dma_semaphore, #tpu.memory_space<semaphore_mem>> -> memref<!tpu.dma_semaphore, #tpu.memory_space<semaphore_mem>>
        %dma_wait3A_292 = arith.constant 0 : i32
        %dma_wait3A_293 = tpu.memref_slice %arg8[%add3A_255, %dma_wait3A_292] : memref<320000x16xf32, #tpu.memory_space<hbm>> -> memref<80x16xf32, #tpu.memory_space<hbm>>
        %dma_wait3A_294 = arith.constant 0 : i32
        %dma_wait3A_295 = arith.constant 0 : i32
        %dma_wait3A_296 = tpu.memref_slice %arg14[%sub3A_137, %dma_wait3A_294, %dma_wait3A_295] : memref<2x80x16xf32, #tpu.memory_space<vmem>> -> memref<1x80x16xf32, #tpu.memory_space<vmem>>
        %dma_wait3A_297 = tpu.memref_squeeze %dma_wait3A_296 : memref<1x80x16xf32, #tpu.memory_space<vmem>> -> memref<80x16xf32, #tpu.memory_space<vmem>>
        tpu.wait_dma2 semaphore(%dma_wait3A_291 : memref<!tpu.dma_semaphore, #tpu.memory_space<semaphore_mem>>) src(%dma_wait3A_297 : memref<80x16xf32, #tpu.memory_space<vmem>>) dst(%dma_wait3A_293 : memref<80x16xf32, #tpu.memory_space<hbm>>)
        %dma_wait3A_298 = arith.constant 0 : i32
        %dma_wait3A_299 = arith.constant 0 : i32
        %dma_wait3A_300 = tpu.memref_slice %arg15[%sub3A_137, %dma_wait3A_298, %dma_wait3A_299] : memref<2x80x16xf32, #tpu.memory_space<vmem>> -> memref<1x80x16xf32, #tpu.memory_space<vmem>>
        %dma_wait3A_301 = tpu.memref_squeeze %dma_wait3A_300 : memref<1x80x16xf32, #tpu.memory_space<vmem>> -> memref<80x16xf32, #tpu.memory_space<vmem>>
        %dma_wait3A_302 = arith.constant 0 : i32
        %dma_wait3A_303 = tpu.memref_slice %arg9[%add3A_255, %dma_wait3A_302] : memref<320000x16xf32, #tpu.memory_space<hbm>> -> memref<80x16xf32, #tpu.memory_space<hbm>>
        %dma_wait3A_304 = tpu.memref_slice %arg17[%sub3A_137] : memref<2x!tpu.dma_semaphore, #tpu.memory_space<semaphore_mem>> -> memref<1x!tpu.dma_semaphore, #tpu.memory_space<semaphore_mem>>
        %dma_wait3A_305 = tpu.memref_squeeze %dma_wait3A_304 : memref<1x!tpu.dma_semaphore, #tpu.memory_space<semaphore_mem>> -> memref<!tpu.dma_semaphore, #tpu.memory_space<semaphore_mem>>
        %dma_wait3A_306 = arith.constant 0 : i32
        %dma_wait3A_307 = tpu.memref_slice %arg9[%add3A_255, %dma_wait3A_306] : memref<320000x16xf32, #tpu.memory_space<hbm>> -> memref<80x16xf32, #tpu.memory_space<hbm>>
        %dma_wait3A_308 = arith.constant 0 : i32
        %dma_wait3A_309 = arith.constant 0 : i32
        %dma_wait3A_310 = tpu.memref_slice %arg15[%sub3A_137, %dma_wait3A_308, %dma_wait3A_309] : memref<2x80x16xf32, #tpu.memory_space<vmem>> -> memref<1x80x16xf32, #tpu.memory_space<vmem>>
        %dma_wait3A_311 = tpu.memref_squeeze %dma_wait3A_310 : memref<1x80x16xf32, #tpu.memory_space<vmem>> -> memref<80x16xf32, #tpu.memory_space<vmem>>
        tpu.wait_dma2 semaphore(%dma_wait3A_305 : memref<!tpu.dma_semaphore, #tpu.memory_space<semaphore_mem>>) src(%dma_wait3A_311 : memref<80x16xf32, #tpu.memory_space<vmem>>) dst(%dma_wait3A_307 : memref<80x16xf32, #tpu.memory_space<hbm>>)
      } else {
      }
      %lt3A = arith.constant 124 : i32
      %lt3A_140 = arith.cmpi slt, %scan3A_135, %lt3A : i32
      %convert_element_type3A_141 = arith.extui %lt3A_140 : i1 to i32
      %cond3A_142 = arith.constant 0 : i32
      %cond3A_143 = arith.cmpi ne, %convert_element_type3A_141, %cond3A_142 : i32
      scf.if %cond3A_143 {
        %add3A_251 = arith.constant 1 : i32
        %add3A_252 = arith.addi %scan3A_135, %add3A_251 : i32
        %mul3A_253 = arith.constant 80 : i32
        %mul3A_254 = arith.muli %add3A_252, %mul3A_253 : i32
        %add3A_255 = arith.addi %mul3A_2, %mul3A_254 : i32
        "tpu.region"() ({
          %run_scoped3A_304 = tpu.sem_alloc : memref<!tpu.dma_semaphore, #tpu.memory_space<semaphore_mem>>
          %dma_start3A_305 = arith.constant 0 : i32
          %dma_start3A_306 = tpu.memref_slice %arg10[%sub3A_137, %dma_start3A_305] : memref<2x80xi32, #tpu.memory_space<vmem>> -> memref<1x80xi32, #tpu.memory_space<vmem>>
          %dma_start3A_307 = tpu.memref_squeeze %dma_start3A_306 : memref<1x80xi32, #tpu.memory_space<vmem>> -> memref<80xi32, #tpu.memory_space<vmem>>
          %dma_start3A_308 = tpu.memref_slice %arg4[%add3A_255] : memref<320000xi32, #tpu.memory_space<hbm>> -> memref<80xi32, #tpu.memory_space<hbm>>
          %dma_start3A_309 = arith.constant 0 : i32
          %dma_start3A_310 = tpu.memref_slice %arg10[%sub3A_137, %dma_start3A_309] : memref<2x80xi32, #tpu.memory_space<vmem>> -> memref<1x80xi32, #tpu.memory_space<vmem>>
          %dma_start3A_311 = tpu.memref_squeeze %dma_start3A_310 : memref<1x80xi32, #tpu.memory_space<vmem>> -> memref<80xi32, #tpu.memory_space<vmem>>
          %dma_start3A_312 = tpu.memref_slice %arg4[%add3A_255] : memref<320000xi32, #tpu.memory_space<hbm>> -> memref<80xi32, #tpu.memory_space<hbm>>
          tpu.enqueue_dma source(%dma_start3A_312 : memref<80xi32, #tpu.memory_space<hbm>>) target(%dma_start3A_311 : memref<80xi32, #tpu.memory_space<vmem>>) target_semaphore(%run_scoped3A_304 : memref<!tpu.dma_semaphore, #tpu.memory_space<semaphore_mem>>)
          %dma_wait3A_313 = arith.constant 0 : i32
          %dma_wait3A_314 = tpu.memref_slice %arg10[%sub3A_137, %dma_wait3A_313] : memref<2x80xi32, #tpu.memory_space<vmem>> -> memref<1x80xi32, #tpu.memory_space<vmem>>
          %dma_wait3A_315 = tpu.memref_squeeze %dma_wait3A_314 : memref<1x80xi32, #tpu.memory_space<vmem>> -> memref<80xi32, #tpu.memory_space<vmem>>
          %dma_wait3A_316 = tpu.memref_slice %arg4[%add3A_255] : memref<320000xi32, #tpu.memory_space<hbm>> -> memref<80xi32, #tpu.memory_space<hbm>>
          %dma_wait3A_317 = arith.constant 0 : i32
          %dma_wait3A_318 = tpu.memref_slice %arg10[%sub3A_137, %dma_wait3A_317] : memref<2x80xi32, #tpu.memory_space<vmem>> -> memref<1x80xi32, #tpu.memory_space<vmem>>
          %dma_wait3A_319 = tpu.memref_squeeze %dma_wait3A_318 : memref<1x80xi32, #tpu.memory_space<vmem>> -> memref<80xi32, #tpu.memory_space<vmem>>
          %dma_wait3A_320 = tpu.memref_slice %arg4[%add3A_255] : memref<320000xi32, #tpu.memory_space<hbm>> -> memref<80xi32, #tpu.memory_space<hbm>>
          tpu.wait_dma2 semaphore(%run_scoped3A_304 : memref<!tpu.dma_semaphore, #tpu.memory_space<semaphore_mem>>) src(%dma_wait3A_320 : memref<80xi32, #tpu.memory_space<hbm>>) dst(%dma_wait3A_319 : memref<80xi32, #tpu.memory_space<vmem>>)
          tpu.yield
        }) : () -> ()
        "tpu.region"() ({
          %run_scoped3A_304 = tpu.sem_alloc : memref<!tpu.dma_semaphore, #tpu.memory_space<semaphore_mem>>
          %dma_start3A_305 = arith.constant 0 : i32
          %dma_start3A_306 = tpu.memref_slice %arg11[%sub3A_137, %dma_start3A_305] : memref<2x80xi32, #tpu.memory_space<vmem>> -> memref<1x80xi32, #tpu.memory_space<vmem>>
          %dma_start3A_307 = tpu.memref_squeeze %dma_start3A_306 : memref<1x80xi32, #tpu.memory_space<vmem>> -> memref<80xi32, #tpu.memory_space<vmem>>
          %dma_start3A_308 = tpu.memref_slice %arg5[%add3A_255] : memref<320000xi32, #tpu.memory_space<hbm>> -> memref<80xi32, #tpu.memory_space<hbm>>
          %dma_start3A_309 = arith.constant 0 : i32
          %dma_start3A_310 = tpu.memref_slice %arg11[%sub3A_137, %dma_start3A_309] : memref<2x80xi32, #tpu.memory_space<vmem>> -> memref<1x80xi32, #tpu.memory_space<vmem>>
          %dma_start3A_311 = tpu.memref_squeeze %dma_start3A_310 : memref<1x80xi32, #tpu.memory_space<vmem>> -> memref<80xi32, #tpu.memory_space<vmem>>
          %dma_start3A_312 = tpu.memref_slice %arg5[%add3A_255] : memref<320000xi32, #tpu.memory_space<hbm>> -> memref<80xi32, #tpu.memory_space<hbm>>
          tpu.enqueue_dma source(%dma_start3A_312 : memref<80xi32, #tpu.memory_space<hbm>>) target(%dma_start3A_311 : memref<80xi32, #tpu.memory_space<vmem>>) target_semaphore(%run_scoped3A_304 : memref<!tpu.dma_semaphore, #tpu.memory_space<semaphore_mem>>)
          %dma_wait3A_313 = arith.constant 0 : i32
          %dma_wait3A_314 = tpu.memref_slice %arg11[%sub3A_137, %dma_wait3A_313] : memref<2x80xi32, #tpu.memory_space<vmem>> -> memref<1x80xi32, #tpu.memory_space<vmem>>
          %dma_wait3A_315 = tpu.memref_squeeze %dma_wait3A_314 : memref<1x80xi32, #tpu.memory_space<vmem>> -> memref<80xi32, #tpu.memory_space<vmem>>
          %dma_wait3A_316 = tpu.memref_slice %arg5[%add3A_255] : memref<320000xi32, #tpu.memory_space<hbm>> -> memref<80xi32, #tpu.memory_space<hbm>>
          %dma_wait3A_317 = arith.constant 0 : i32
          %dma_wait3A_318 = tpu.memref_slice %arg11[%sub3A_137, %dma_wait3A_317] : memref<2x80xi32, #tpu.memory_space<vmem>> -> memref<1x80xi32, #tpu.memory_space<vmem>>
          %dma_wait3A_319 = tpu.memref_squeeze %dma_wait3A_318 : memref<1x80xi32, #tpu.memory_space<vmem>> -> memref<80xi32, #tpu.memory_space<vmem>>
          %dma_wait3A_320 = tpu.memref_slice %arg5[%add3A_255] : memref<320000xi32, #tpu.memory_space<hbm>> -> memref<80xi32, #tpu.memory_space<hbm>>
          tpu.wait_dma2 semaphore(%run_scoped3A_304 : memref<!tpu.dma_semaphore, #tpu.memory_space<semaphore_mem>>) src(%dma_wait3A_320 : memref<80xi32, #tpu.memory_space<hbm>>) dst(%dma_wait3A_319 : memref<80xi32, #tpu.memory_space<vmem>>)
          tpu.yield
        }) : () -> ()
        %dma_start3A_256 = arith.constant 0 : i32
        %dma_start3A_257 = arith.constant 0 : i32
        %dma_start3A_258 = tpu.memref_slice %arg12[%sub3A_137, %dma_start3A_256, %dma_start3A_257] : memref<2x80x128xf32, #tpu.memory_space<vmem>> -> memref<1x80x128xf32, #tpu.memory_space<vmem>>
        %dma_start3A_259 = tpu.memref_squeeze %dma_start3A_258 : memref<1x80x128xf32, #tpu.memory_space<vmem>> -> memref<80x128xf32, #tpu.memory_space<vmem>>
        %dma_start3A_260 = arith.constant 0 : i32
        %dma_start3A_261 = tpu.memref_slice %arg10[%sub3A_137, %dma_start3A_260] : memref<2x80xi32, #tpu.memory_space<vmem>> -> memref<1x80xi32, #tpu.memory_space<vmem>>
        %dma_start3A_262 = tpu.memref_squeeze %dma_start3A_261 : memref<1x80xi32, #tpu.memory_space<vmem>> -> memref<80xi32, #tpu.memory_space<vmem>>
        %dma_start3A_263 = arith.constant 0 : i32
        %dma_start3A_264 = arith.constant 0 : i32
        %dma_start3A_265 = tpu.memref_slice %arg2[%dma_start3A_263, %dma_start3A_264] : memref<10000x128xf32, #tpu.memory_space<hbm>> -> memref<10000x128xf32, #tpu.memory_space<hbm>>
        %dma_start3A_266 = tpu.memref_slice %arg16[%sub3A_137] : memref<2x!tpu.dma_semaphore, #tpu.memory_space<semaphore_mem>> -> memref<1x!tpu.dma_semaphore, #tpu.memory_space<semaphore_mem>>
        %dma_start3A_267 = tpu.memref_squeeze %dma_start3A_266 : memref<1x!tpu.dma_semaphore, #tpu.memory_space<semaphore_mem>> -> memref<!tpu.dma_semaphore, #tpu.memory_space<semaphore_mem>>
        tpu.enqueue_indirect_dma source(%dma_start3A_265 : memref<10000x128xf32, #tpu.memory_space<hbm>>) target(%dma_start3A_259 : memref<80x128xf32, #tpu.memory_space<vmem>>) offsets(%dma_start3A_262 : memref<80xi32, #tpu.memory_space<vmem>>) semaphore(%dma_start3A_267 : memref<!tpu.dma_semaphore, #tpu.memory_space<semaphore_mem>>)
        %dma_start3A_268 = arith.constant 0 : i32
        %dma_start3A_269 = arith.constant 0 : i32
        %dma_start3A_270 = tpu.memref_slice %arg13[%sub3A_137, %dma_start3A_268, %dma_start3A_269] : memref<2x80x128xf32, #tpu.memory_space<vmem>> -> memref<1x80x128xf32, #tpu.memory_space<vmem>>
        %dma_start3A_271 = tpu.memref_squeeze %dma_start3A_270 : memref<1x80x128xf32, #tpu.memory_space<vmem>> -> memref<80x128xf32, #tpu.memory_space<vmem>>
        %dma_start3A_272 = arith.constant 0 : i32
        %dma_start3A_273 = tpu.memref_slice %arg11[%sub3A_137, %dma_start3A_272] : memref<2x80xi32, #tpu.memory_space<vmem>> -> memref<1x80xi32, #tpu.memory_space<vmem>>
        %dma_start3A_274 = tpu.memref_squeeze %dma_start3A_273 : memref<1x80xi32, #tpu.memory_space<vmem>> -> memref<80xi32, #tpu.memory_space<vmem>>
        %dma_start3A_275 = arith.constant 0 : i32
        %dma_start3A_276 = arith.constant 0 : i32
        %dma_start3A_277 = tpu.memref_slice %arg2[%dma_start3A_275, %dma_start3A_276] : memref<10000x128xf32, #tpu.memory_space<hbm>> -> memref<10000x128xf32, #tpu.memory_space<hbm>>
        %dma_start3A_278 = tpu.memref_slice %arg16[%sub3A_137] : memref<2x!tpu.dma_semaphore, #tpu.memory_space<semaphore_mem>> -> memref<1x!tpu.dma_semaphore, #tpu.memory_space<semaphore_mem>>
        %dma_start3A_279 = tpu.memref_squeeze %dma_start3A_278 : memref<1x!tpu.dma_semaphore, #tpu.memory_space<semaphore_mem>> -> memref<!tpu.dma_semaphore, #tpu.memory_space<semaphore_mem>>
        tpu.enqueue_indirect_dma source(%dma_start3A_277 : memref<10000x128xf32, #tpu.memory_space<hbm>>) target(%dma_start3A_271 : memref<80x128xf32, #tpu.memory_space<vmem>>) offsets(%dma_start3A_274 : memref<80xi32, #tpu.memory_space<vmem>>) semaphore(%dma_start3A_279 : memref<!tpu.dma_semaphore, #tpu.memory_space<semaphore_mem>>)
        %dma_start3A_280 = arith.constant 0 : i32
        %dma_start3A_281 = arith.constant 0 : i32
        %dma_start3A_282 = tpu.memref_slice %arg14[%sub3A_137, %dma_start3A_280, %dma_start3A_281] : memref<2x80x16xf32, #tpu.memory_space<vmem>> -> memref<1x80x16xf32, #tpu.memory_space<vmem>>
        %dma_start3A_283 = tpu.memref_squeeze %dma_start3A_282 : memref<1x80x16xf32, #tpu.memory_space<vmem>> -> memref<80x16xf32, #tpu.memory_space<vmem>>
        %dma_start3A_284 = arith.constant 0 : i32
        %dma_start3A_285 = tpu.memref_slice %arg10[%sub3A_137, %dma_start3A_284] : memref<2x80xi32, #tpu.memory_space<vmem>> -> memref<1x80xi32, #tpu.memory_space<vmem>>
        %dma_start3A_286 = tpu.memref_squeeze %dma_start3A_285 : memref<1x80xi32, #tpu.memory_space<vmem>> -> memref<80xi32, #tpu.memory_space<vmem>>
        %dma_start3A_287 = arith.constant 0 : i32
        %dma_start3A_288 = arith.constant 0 : i32
        %dma_start3A_289 = tpu.memref_slice %arg3[%dma_start3A_287, %dma_start3A_288] : memref<10000x16xf32, #tpu.memory_space<hbm>> -> memref<10000x16xf32, #tpu.memory_space<hbm>>
        %dma_start3A_290 = tpu.memref_slice %arg16[%sub3A_137] : memref<2x!tpu.dma_semaphore, #tpu.memory_space<semaphore_mem>> -> memref<1x!tpu.dma_semaphore, #tpu.memory_space<semaphore_mem>>
        %dma_start3A_291 = tpu.memref_squeeze %dma_start3A_290 : memref<1x!tpu.dma_semaphore, #tpu.memory_space<semaphore_mem>> -> memref<!tpu.dma_semaphore, #tpu.memory_space<semaphore_mem>>
        tpu.enqueue_indirect_dma source(%dma_start3A_289 : memref<10000x16xf32, #tpu.memory_space<hbm>>) target(%dma_start3A_283 : memref<80x16xf32, #tpu.memory_space<vmem>>) offsets(%dma_start3A_286 : memref<80xi32, #tpu.memory_space<vmem>>) semaphore(%dma_start3A_291 : memref<!tpu.dma_semaphore, #tpu.memory_space<semaphore_mem>>)
        %dma_start3A_292 = arith.constant 0 : i32
        %dma_start3A_293 = arith.constant 0 : i32
        %dma_start3A_294 = tpu.memref_slice %arg15[%sub3A_137, %dma_start3A_292, %dma_start3A_293] : memref<2x80x16xf32, #tpu.memory_space<vmem>> -> memref<1x80x16xf32, #tpu.memory_space<vmem>>
        %dma_start3A_295 = tpu.memref_squeeze %dma_start3A_294 : memref<1x80x16xf32, #tpu.memory_space<vmem>> -> memref<80x16xf32, #tpu.memory_space<vmem>>
        %dma_start3A_296 = arith.constant 0 : i32
        %dma_start3A_297 = tpu.memref_slice %arg11[%sub3A_137, %dma_start3A_296] : memref<2x80xi32, #tpu.memory_space<vmem>> -> memref<1x80xi32, #tpu.memory_space<vmem>>
        %dma_start3A_298 = tpu.memref_squeeze %dma_start3A_297 : memref<1x80xi32, #tpu.memory_space<vmem>> -> memref<80xi32, #tpu.memory_space<vmem>>
        %dma_start3A_299 = arith.constant 0 : i32
        %dma_start3A_300 = arith.constant 0 : i32
        %dma_start3A_301 = tpu.memref_slice %arg3[%dma_start3A_299, %dma_start3A_300] : memref<10000x16xf32, #tpu.memory_space<hbm>> -> memref<10000x16xf32, #tpu.memory_space<hbm>>
        %dma_start3A_302 = tpu.memref_slice %arg16[%sub3A_137] : memref<2x!tpu.dma_semaphore, #tpu.memory_space<semaphore_mem>> -> memref<1x!tpu.dma_semaphore, #tpu.memory_space<semaphore_mem>>
        %dma_start3A_303 = tpu.memref_squeeze %dma_start3A_302 : memref<1x!tpu.dma_semaphore, #tpu.memory_space<semaphore_mem>> -> memref<!tpu.dma_semaphore, #tpu.memory_space<semaphore_mem>>
        tpu.enqueue_indirect_dma source(%dma_start3A_301 : memref<10000x16xf32, #tpu.memory_space<hbm>>) target(%dma_start3A_295 : memref<80x16xf32, #tpu.memory_space<vmem>>) offsets(%dma_start3A_298 : memref<80xi32, #tpu.memory_space<vmem>>) semaphore(%dma_start3A_303 : memref<!tpu.dma_semaphore, #tpu.memory_space<semaphore_mem>>)
      } else {
      }
      %dma_wait3A_144 = arith.constant 0 : i32
      %dma_wait3A_145 = arith.constant 0 : i32
      %dma_wait3A_146 = tpu.memref_slice %arg12[%rem3A_136, %dma_wait3A_144, %dma_wait3A_145] : memref<2x80x128xf32, #tpu.memory_space<vmem>> -> memref<1x80x128xf32, #tpu.memory_space<vmem>>
      %dma_wait3A_147 = tpu.memref_squeeze %dma_wait3A_146 : memref<1x80x128xf32, #tpu.memory_space<vmem>> -> memref<80x128xf32, #tpu.memory_space<vmem>>
      %dma_wait3A_148 = arith.constant 0 : i32
      %dma_wait3A_149 = tpu.memref_slice %arg10[%rem3A_136, %dma_wait3A_148] : memref<2x80xi32, #tpu.memory_space<vmem>> -> memref<1x80xi32, #tpu.memory_space<vmem>>
      %dma_wait3A_150 = tpu.memref_squeeze %dma_wait3A_149 : memref<1x80xi32, #tpu.memory_space<vmem>> -> memref<80xi32, #tpu.memory_space<vmem>>
      %dma_wait3A_151 = arith.constant 0 : i32
      %dma_wait3A_152 = arith.constant 0 : i32
      %dma_wait3A_153 = tpu.memref_slice %arg2[%dma_wait3A_151, %dma_wait3A_152] : memref<10000x128xf32, #tpu.memory_space<hbm>> -> memref<10000x128xf32, #tpu.memory_space<hbm>>
      %dma_wait3A_154 = tpu.memref_slice %arg16[%rem3A_136] : memref<2x!tpu.dma_semaphore, #tpu.memory_space<semaphore_mem>> -> memref<1x!tpu.dma_semaphore, #tpu.memory_space<semaphore_mem>>
      %dma_wait3A_155 = tpu.memref_squeeze %dma_wait3A_154 : memref<1x!tpu.dma_semaphore, #tpu.memory_space<semaphore_mem>> -> memref<!tpu.dma_semaphore, #tpu.memory_space<semaphore_mem>>
      tpu.wait_indirect_dma semaphore(%dma_wait3A_155 : memref<!tpu.dma_semaphore, #tpu.memory_space<semaphore_mem>>) src(%dma_wait3A_153 : memref<10000x128xf32, #tpu.memory_space<hbm>>) dst(%dma_wait3A_147 : memref<80x128xf32, #tpu.memory_space<vmem>>)
      %dma_wait3A_156 = arith.constant 0 : i32
      %dma_wait3A_157 = arith.constant 0 : i32
      %dma_wait3A_158 = tpu.memref_slice %arg13[%rem3A_136, %dma_wait3A_156, %dma_wait3A_157] : memref<2x80x128xf32, #tpu.memory_space<vmem>> -> memref<1x80x128xf32, #tpu.memory_space<vmem>>
      %dma_wait3A_159 = tpu.memref_squeeze %dma_wait3A_158 : memref<1x80x128xf32, #tpu.memory_space<vmem>> -> memref<80x128xf32, #tpu.memory_space<vmem>>
      %dma_wait3A_160 = arith.constant 0 : i32
      %dma_wait3A_161 = tpu.memref_slice %arg11[%rem3A_136, %dma_wait3A_160] : memref<2x80xi32, #tpu.memory_space<vmem>> -> memref<1x80xi32, #tpu.memory_space<vmem>>
      %dma_wait3A_162 = tpu.memref_squeeze %dma_wait3A_161 : memref<1x80xi32, #tpu.memory_space<vmem>> -> memref<80xi32, #tpu.memory_space<vmem>>
      %dma_wait3A_163 = arith.constant 0 : i32
      %dma_wait3A_164 = arith.constant 0 : i32
      %dma_wait3A_165 = tpu.memref_slice %arg2[%dma_wait3A_163, %dma_wait3A_164] : memref<10000x128xf32, #tpu.memory_space<hbm>> -> memref<10000x128xf32, #tpu.memory_space<hbm>>
      %dma_wait3A_166 = tpu.memref_slice %arg16[%rem3A_136] : memref<2x!tpu.dma_semaphore, #tpu.memory_space<semaphore_mem>> -> memref<1x!tpu.dma_semaphore, #tpu.memory_space<semaphore_mem>>
      %dma_wait3A_167 = tpu.memref_squeeze %dma_wait3A_166 : memref<1x!tpu.dma_semaphore, #tpu.memory_space<semaphore_mem>> -> memref<!tpu.dma_semaphore, #tpu.memory_space<semaphore_mem>>
      tpu.wait_indirect_dma semaphore(%dma_wait3A_167 : memref<!tpu.dma_semaphore, #tpu.memory_space<semaphore_mem>>) src(%dma_wait3A_165 : memref<10000x128xf32, #tpu.memory_space<hbm>>) dst(%dma_wait3A_159 : memref<80x128xf32, #tpu.memory_space<vmem>>)
      %dma_wait3A_168 = arith.constant 0 : i32
      %dma_wait3A_169 = arith.constant 0 : i32
      %dma_wait3A_170 = tpu.memref_slice %arg14[%rem3A_136, %dma_wait3A_168, %dma_wait3A_169] : memref<2x80x16xf32, #tpu.memory_space<vmem>> -> memref<1x80x16xf32, #tpu.memory_space<vmem>>
      %dma_wait3A_171 = tpu.memref_squeeze %dma_wait3A_170 : memref<1x80x16xf32, #tpu.memory_space<vmem>> -> memref<80x16xf32, #tpu.memory_space<vmem>>
      %dma_wait3A_172 = arith.constant 0 : i32
      %dma_wait3A_173 = tpu.memref_slice %arg10[%rem3A_136, %dma_wait3A_172] : memref<2x80xi32, #tpu.memory_space<vmem>> -> memref<1x80xi32, #tpu.memory_space<vmem>>
      %dma_wait3A_174 = tpu.memref_squeeze %dma_wait3A_173 : memref<1x80xi32, #tpu.memory_space<vmem>> -> memref<80xi32, #tpu.memory_space<vmem>>
      %dma_wait3A_175 = arith.constant 0 : i32
      %dma_wait3A_176 = arith.constant 0 : i32
      %dma_wait3A_177 = tpu.memref_slice %arg3[%dma_wait3A_175, %dma_wait3A_176] : memref<10000x16xf32, #tpu.memory_space<hbm>> -> memref<10000x16xf32, #tpu.memory_space<hbm>>
      %dma_wait3A_178 = tpu.memref_slice %arg16[%rem3A_136] : memref<2x!tpu.dma_semaphore, #tpu.memory_space<semaphore_mem>> -> memref<1x!tpu.dma_semaphore, #tpu.memory_space<semaphore_mem>>
      %dma_wait3A_179 = tpu.memref_squeeze %dma_wait3A_178 : memref<1x!tpu.dma_semaphore, #tpu.memory_space<semaphore_mem>> -> memref<!tpu.dma_semaphore, #tpu.memory_space<semaphore_mem>>
      tpu.wait_indirect_dma semaphore(%dma_wait3A_179 : memref<!tpu.dma_semaphore, #tpu.memory_space<semaphore_mem>>) src(%dma_wait3A_177 : memref<10000x16xf32, #tpu.memory_space<hbm>>) dst(%dma_wait3A_171 : memref<80x16xf32, #tpu.memory_space<vmem>>)
      %dma_wait3A_180 = arith.constant 0 : i32
      %dma_wait3A_181 = arith.constant 0 : i32
      %dma_wait3A_182 = tpu.memref_slice %arg15[%rem3A_136, %dma_wait3A_180, %dma_wait3A_181] : memref<2x80x16xf32, #tpu.memory_space<vmem>> -> memref<1x80x16xf32, #tpu.memory_space<vmem>>
      %dma_wait3A_183 = tpu.memref_squeeze %dma_wait3A_182 : memref<1x80x16xf32, #tpu.memory_space<vmem>> -> memref<80x16xf32, #tpu.memory_space<vmem>>
      %dma_wait3A_184 = arith.constant 0 : i32
      %dma_wait3A_185 = tpu.memref_slice %arg11[%rem3A_136, %dma_wait3A_184] : memref<2x80xi32, #tpu.memory_space<vmem>> -> memref<1x80xi32, #tpu.memory_space<vmem>>
      %dma_wait3A_186 = tpu.memref_squeeze %dma_wait3A_185 : memref<1x80xi32, #tpu.memory_space<vmem>> -> memref<80xi32, #tpu.memory_space<vmem>>
      %dma_wait3A_187 = arith.constant 0 : i32
      %dma_wait3A_188 = arith.constant 0 : i32
      %dma_wait3A_189 = tpu.memref_slice %arg3[%dma_wait3A_187, %dma_wait3A_188] : memref<10000x16xf32, #tpu.memory_space<hbm>> -> memref<10000x16xf32, #tpu.memory_space<hbm>>
      %dma_wait3A_190 = tpu.memref_slice %arg16[%rem3A_136] : memref<2x!tpu.dma_semaphore, #tpu.memory_space<semaphore_mem>> -> memref<1x!tpu.dma_semaphore, #tpu.memory_space<semaphore_mem>>
      %dma_wait3A_191 = tpu.memref_squeeze %dma_wait3A_190 : memref<1x!tpu.dma_semaphore, #tpu.memory_space<semaphore_mem>> -> memref<!tpu.dma_semaphore, #tpu.memory_space<semaphore_mem>>
      tpu.wait_indirect_dma semaphore(%dma_wait3A_191 : memref<!tpu.dma_semaphore, #tpu.memory_space<semaphore_mem>>) src(%dma_wait3A_189 : memref<10000x16xf32, #tpu.memory_space<hbm>>) dst(%dma_wait3A_183 : memref<80x16xf32, #tpu.memory_space<vmem>>)
      %mul3A_192 = arith.constant 80 : i32
      %mul3A_193 = arith.muli %scan3A_135, %mul3A_192 : i32
      %add3A_194 = arith.addi %mul3A_2, %mul3A_193 : i32
      %dma_start3A_195 = arith.constant 0 : i32
      %dma_start3A_196 = arith.constant 0 : i32
      %dma_start3A_197 = tpu.memref_slice %arg12[%rem3A_136, %dma_start3A_195, %dma_start3A_196] : memref<2x80x128xf32, #tpu.memory_space<vmem>> -> memref<1x80x128xf32, #tpu.memory_space<vmem>>
      %dma_start3A_198 = tpu.memref_squeeze %dma_start3A_197 : memref<1x80x128xf32, #tpu.memory_space<vmem>> -> memref<80x128xf32, #tpu.memory_space<vmem>>
      %dma_start3A_199 = arith.constant 0 : i32
      %dma_start3A_200 = tpu.memref_slice %arg6[%add3A_194, %dma_start3A_199] : memref<320000x128xf32, #tpu.memory_space<hbm>> -> memref<80x128xf32, #tpu.memory_space<hbm>>
      %dma_start3A_201 = tpu.memref_slice %arg17[%rem3A_136] : memref<2x!tpu.dma_semaphore, #tpu.memory_space<semaphore_mem>> -> memref<1x!tpu.dma_semaphore, #tpu.memory_space<semaphore_mem>>
      %dma_start3A_202 = tpu.memref_squeeze %dma_start3A_201 : memref<1x!tpu.dma_semaphore, #tpu.memory_space<semaphore_mem>> -> memref<!tpu.dma_semaphore, #tpu.memory_space<semaphore_mem>>
      %dma_start3A_203 = arith.constant 0 : i32
      %dma_start3A_204 = tpu.memref_slice %arg6[%add3A_194, %dma_start3A_203] : memref<320000x128xf32, #tpu.memory_space<hbm>> -> memref<80x128xf32, #tpu.memory_space<hbm>>
      %dma_start3A_205 = arith.constant 0 : i32
      %dma_start3A_206 = arith.constant 0 : i32
      %dma_start3A_207 = tpu.memref_slice %arg12[%rem3A_136, %dma_start3A_205, %dma_start3A_206] : memref<2x80x128xf32, #tpu.memory_space<vmem>> -> memref<1x80x128xf32, #tpu.memory_space<vmem>>
      %dma_start3A_208 = tpu.memref_squeeze %dma_start3A_207 : memref<1x80x128xf32, #tpu.memory_space<vmem>> -> memref<80x128xf32, #tpu.memory_space<vmem>>
      tpu.enqueue_dma source(%dma_start3A_208 : memref<80x128xf32, #tpu.memory_space<vmem>>) target(%dma_start3A_204 : memref<80x128xf32, #tpu.memory_space<hbm>>) target_semaphore(%dma_start3A_202 : memref<!tpu.dma_semaphore, #tpu.memory_space<semaphore_mem>>)
      %dma_start3A_209 = arith.constant 0 : i32
      %dma_start3A_210 = arith.constant 0 : i32
      %dma_start3A_211 = tpu.memref_slice %arg13[%rem3A_136, %dma_start3A_209, %dma_start3A_210] : memref<2x80x128xf32, #tpu.memory_space<vmem>> -> memref<1x80x128xf32, #tpu.memory_space<vmem>>
      %dma_start3A_212 = tpu.memref_squeeze %dma_start3A_211 : memref<1x80x128xf32, #tpu.memory_space<vmem>> -> memref<80x128xf32, #tpu.memory_space<vmem>>
      %dma_start3A_213 = arith.constant 0 : i32
      %dma_start3A_214 = tpu.memref_slice %arg7[%add3A_194, %dma_start3A_213] : memref<320000x128xf32, #tpu.memory_space<hbm>> -> memref<80x128xf32, #tpu.memory_space<hbm>>
      %dma_start3A_215 = tpu.memref_slice %arg17[%rem3A_136] : memref<2x!tpu.dma_semaphore, #tpu.memory_space<semaphore_mem>> -> memref<1x!tpu.dma_semaphore, #tpu.memory_space<semaphore_mem>>
      %dma_start3A_216 = tpu.memref_squeeze %dma_start3A_215 : memref<1x!tpu.dma_semaphore, #tpu.memory_space<semaphore_mem>> -> memref<!tpu.dma_semaphore, #tpu.memory_space<semaphore_mem>>
      %dma_start3A_217 = arith.constant 0 : i32
      %dma_start3A_218 = tpu.memref_slice %arg7[%add3A_194, %dma_start3A_217] : memref<320000x128xf32, #tpu.memory_space<hbm>> -> memref<80x128xf32, #tpu.memory_space<hbm>>
      %dma_start3A_219 = arith.constant 0 : i32
      %dma_start3A_220 = arith.constant 0 : i32
      %dma_start3A_221 = tpu.memref_slice %arg13[%rem3A_136, %dma_start3A_219, %dma_start3A_220] : memref<2x80x128xf32, #tpu.memory_space<vmem>> -> memref<1x80x128xf32, #tpu.memory_space<vmem>>
      %dma_start3A_222 = tpu.memref_squeeze %dma_start3A_221 : memref<1x80x128xf32, #tpu.memory_space<vmem>> -> memref<80x128xf32, #tpu.memory_space<vmem>>
      tpu.enqueue_dma source(%dma_start3A_222 : memref<80x128xf32, #tpu.memory_space<vmem>>) target(%dma_start3A_218 : memref<80x128xf32, #tpu.memory_space<hbm>>) target_semaphore(%dma_start3A_216 : memref<!tpu.dma_semaphore, #tpu.memory_space<semaphore_mem>>)
      %dma_start3A_223 = arith.constant 0 : i32
      %dma_start3A_224 = arith.constant 0 : i32
      %dma_start3A_225 = tpu.memref_slice %arg14[%rem3A_136, %dma_start3A_223, %dma_start3A_224] : memref<2x80x16xf32, #tpu.memory_space<vmem>> -> memref<1x80x16xf32, #tpu.memory_space<vmem>>
      %dma_start3A_226 = tpu.memref_squeeze %dma_start3A_225 : memref<1x80x16xf32, #tpu.memory_space<vmem>> -> memref<80x16xf32, #tpu.memory_space<vmem>>
      %dma_start3A_227 = arith.constant 0 : i32
      %dma_start3A_228 = tpu.memref_slice %arg8[%add3A_194, %dma_start3A_227] : memref<320000x16xf32, #tpu.memory_space<hbm>> -> memref<80x16xf32, #tpu.memory_space<hbm>>
      %dma_start3A_229 = tpu.memref_slice %arg17[%rem3A_136] : memref<2x!tpu.dma_semaphore, #tpu.memory_space<semaphore_mem>> -> memref<1x!tpu.dma_semaphore, #tpu.memory_space<semaphore_mem>>
      %dma_start3A_230 = tpu.memref_squeeze %dma_start3A_229 : memref<1x!tpu.dma_semaphore, #tpu.memory_space<semaphore_mem>> -> memref<!tpu.dma_semaphore, #tpu.memory_space<semaphore_mem>>
      %dma_start3A_231 = arith.constant 0 : i32
      %dma_start3A_232 = tpu.memref_slice %arg8[%add3A_194, %dma_start3A_231] : memref<320000x16xf32, #tpu.memory_space<hbm>> -> memref<80x16xf32, #tpu.memory_space<hbm>>
      %dma_start3A_233 = arith.constant 0 : i32
      %dma_start3A_234 = arith.constant 0 : i32
      %dma_start3A_235 = tpu.memref_slice %arg14[%rem3A_136, %dma_start3A_233, %dma_start3A_234] : memref<2x80x16xf32, #tpu.memory_space<vmem>> -> memref<1x80x16xf32, #tpu.memory_space<vmem>>
      %dma_start3A_236 = tpu.memref_squeeze %dma_start3A_235 : memref<1x80x16xf32, #tpu.memory_space<vmem>> -> memref<80x16xf32, #tpu.memory_space<vmem>>
      tpu.enqueue_dma source(%dma_start3A_236 : memref<80x16xf32, #tpu.memory_space<vmem>>) target(%dma_start3A_232 : memref<80x16xf32, #tpu.memory_space<hbm>>) target_semaphore(%dma_start3A_230 : memref<!tpu.dma_semaphore, #tpu.memory_space<semaphore_mem>>)
      %dma_start3A_237 = arith.constant 0 : i32
      %dma_start3A_238 = arith.constant 0 : i32
      %dma_start3A_239 = tpu.memref_slice %arg15[%rem3A_136, %dma_start3A_237, %dma_start3A_238] : memref<2x80x16xf32, #tpu.memory_space<vmem>> -> memref<1x80x16xf32, #tpu.memory_space<vmem>>
      %dma_start3A_240 = tpu.memref_squeeze %dma_start3A_239 : memref<1x80x16xf32, #tpu.memory_space<vmem>> -> memref<80x16xf32, #tpu.memory_space<vmem>>
      %dma_start3A_241 = arith.constant 0 : i32
      %dma_start3A_242 = tpu.memref_slice %arg9[%add3A_194, %dma_start3A_241] : memref<320000x16xf32, #tpu.memory_space<hbm>> -> memref<80x16xf32, #tpu.memory_space<hbm>>
      %dma_start3A_243 = tpu.memref_slice %arg17[%rem3A_136] : memref<2x!tpu.dma_semaphore, #tpu.memory_space<semaphore_mem>> -> memref<1x!tpu.dma_semaphore, #tpu.memory_space<semaphore_mem>>
      %dma_start3A_244 = tpu.memref_squeeze %dma_start3A_243 : memref<1x!tpu.dma_semaphore, #tpu.memory_space<semaphore_mem>> -> memref<!tpu.dma_semaphore, #tpu.memory_space<semaphore_mem>>
      %dma_start3A_245 = arith.constant 0 : i32
      %dma_start3A_246 = tpu.memref_slice %arg9[%add3A_194, %dma_start3A_245] : memref<320000x16xf32, #tpu.memory_space<hbm>> -> memref<80x16xf32, #tpu.memory_space<hbm>>
      %dma_start3A_247 = arith.constant 0 : i32
      %dma_start3A_248 = arith.constant 0 : i32
      %dma_start3A_249 = tpu.memref_slice %arg15[%rem3A_136, %dma_start3A_247, %dma_start3A_248] : memref<2x80x16xf32, #tpu.memory_space<vmem>> -> memref<1x80x16xf32, #tpu.memory_space<vmem>>
      %dma_start3A_250 = tpu.memref_squeeze %dma_start3A_249 : memref<1x80x16xf32, #tpu.memory_space<vmem>> -> memref<80x16xf32, #tpu.memory_space<vmem>>
      tpu.enqueue_dma source(%dma_start3A_250 : memref<80x16xf32, #tpu.memory_space<vmem>>) target(%dma_start3A_246 : memref<80x16xf32, #tpu.memory_space<hbm>>) target_semaphore(%dma_start3A_244 : memref<!tpu.dma_semaphore, #tpu.memory_space<semaphore_mem>>)
    }
    %scan3A_69 = arith.constant 125 : i32
    %add3A_70 = arith.constant 9920 : i32
    %add3A_71 = arith.addi %mul3A_2, %add3A_70 : i32
    %dma_wait3A = arith.constant 0 : i32
    %dma_wait3A_72 = arith.constant 0 : i32
    %dma_wait3A_73 = arith.constant 0 : i32
    %dma_wait3A_74 = arith.constant 0 : i32
    %dma_wait3A_75 = tpu.memref_slice %arg12[%dma_wait3A, %dma_wait3A_73, %dma_wait3A_74] : memref<2x80x128xf32, #tpu.memory_space<vmem>> -> memref<1x80x128xf32, #tpu.memory_space<vmem>>
    %dma_wait3A_76 = tpu.memref_squeeze %dma_wait3A_75 : memref<1x80x128xf32, #tpu.memory_space<vmem>> -> memref<80x128xf32, #tpu.memory_space<vmem>>
    %dma_wait3A_77 = arith.constant 0 : i32
    %dma_wait3A_78 = tpu.memref_slice %arg6[%add3A_71, %dma_wait3A_77] : memref<320000x128xf32, #tpu.memory_space<hbm>> -> memref<80x128xf32, #tpu.memory_space<hbm>>
    %dma_wait3A_79 = tpu.memref_slice %arg17[%dma_wait3A_72] : memref<2x!tpu.dma_semaphore, #tpu.memory_space<semaphore_mem>> -> memref<1x!tpu.dma_semaphore, #tpu.memory_space<semaphore_mem>>
    %dma_wait3A_80 = tpu.memref_squeeze %dma_wait3A_79 : memref<1x!tpu.dma_semaphore, #tpu.memory_space<semaphore_mem>> -> memref<!tpu.dma_semaphore, #tpu.memory_space<semaphore_mem>>
    %dma_wait3A_81 = arith.constant 0 : i32
    %dma_wait3A_82 = tpu.memref_slice %arg6[%add3A_71, %dma_wait3A_81] : memref<320000x128xf32, #tpu.memory_space<hbm>> -> memref<80x128xf32, #tpu.memory_space<hbm>>
    %dma_wait3A_83 = arith.constant 0 : i32
    %dma_wait3A_84 = arith.constant 0 : i32
    %dma_wait3A_85 = tpu.memref_slice %arg12[%dma_wait3A, %dma_wait3A_83, %dma_wait3A_84] : memref<2x80x128xf32, #tpu.memory_space<vmem>> -> memref<1x80x128xf32, #tpu.memory_space<vmem>>
    %dma_wait3A_86 = tpu.memref_squeeze %dma_wait3A_85 : memref<1x80x128xf32, #tpu.memory_space<vmem>> -> memref<80x128xf32, #tpu.memory_space<vmem>>
    tpu.wait_dma2 semaphore(%dma_wait3A_80 : memref<!tpu.dma_semaphore, #tpu.memory_space<semaphore_mem>>) src(%dma_wait3A_86 : memref<80x128xf32, #tpu.memory_space<vmem>>) dst(%dma_wait3A_82 : memref<80x128xf32, #tpu.memory_space<hbm>>)
    %dma_wait3A_87 = arith.constant 0 : i32
    %dma_wait3A_88 = arith.constant 0 : i32
    %dma_wait3A_89 = arith.constant 0 : i32
    %dma_wait3A_90 = arith.constant 0 : i32
    %dma_wait3A_91 = tpu.memref_slice %arg13[%dma_wait3A_87, %dma_wait3A_89, %dma_wait3A_90] : memref<2x80x128xf32, #tpu.memory_space<vmem>> -> memref<1x80x128xf32, #tpu.memory_space<vmem>>
    %dma_wait3A_92 = tpu.memref_squeeze %dma_wait3A_91 : memref<1x80x128xf32, #tpu.memory_space<vmem>> -> memref<80x128xf32, #tpu.memory_space<vmem>>
    %dma_wait3A_93 = arith.constant 0 : i32
    %dma_wait3A_94 = tpu.memref_slice %arg7[%add3A_71, %dma_wait3A_93] : memref<320000x128xf32, #tpu.memory_space<hbm>> -> memref<80x128xf32, #tpu.memory_space<hbm>>
    %dma_wait3A_95 = tpu.memref_slice %arg17[%dma_wait3A_88] : memref<2x!tpu.dma_semaphore, #tpu.memory_space<semaphore_mem>> -> memref<1x!tpu.dma_semaphore, #tpu.memory_space<semaphore_mem>>
    %dma_wait3A_96 = tpu.memref_squeeze %dma_wait3A_95 : memref<1x!tpu.dma_semaphore, #tpu.memory_space<semaphore_mem>> -> memref<!tpu.dma_semaphore, #tpu.memory_space<semaphore_mem>>
    %dma_wait3A_97 = arith.constant 0 : i32
    %dma_wait3A_98 = tpu.memref_slice %arg7[%add3A_71, %dma_wait3A_97] : memref<320000x128xf32, #tpu.memory_space<hbm>> -> memref<80x128xf32, #tpu.memory_space<hbm>>
    %dma_wait3A_99 = arith.constant 0 : i32
    %dma_wait3A_100 = arith.constant 0 : i32
    %dma_wait3A_101 = tpu.memref_slice %arg13[%dma_wait3A_87, %dma_wait3A_99, %dma_wait3A_100] : memref<2x80x128xf32, #tpu.memory_space<vmem>> -> memref<1x80x128xf32, #tpu.memory_space<vmem>>
    %dma_wait3A_102 = tpu.memref_squeeze %dma_wait3A_101 : memref<1x80x128xf32, #tpu.memory_space<vmem>> -> memref<80x128xf32, #tpu.memory_space<vmem>>
    tpu.wait_dma2 semaphore(%dma_wait3A_96 : memref<!tpu.dma_semaphore, #tpu.memory_space<semaphore_mem>>) src(%dma_wait3A_102 : memref<80x128xf32, #tpu.memory_space<vmem>>) dst(%dma_wait3A_98 : memref<80x128xf32, #tpu.memory_space<hbm>>)
    %dma_wait3A_103 = arith.constant 0 : i32
    %dma_wait3A_104 = arith.constant 0 : i32
    %dma_wait3A_105 = arith.constant 0 : i32
    %dma_wait3A_106 = arith.constant 0 : i32
    %dma_wait3A_107 = tpu.memref_slice %arg14[%dma_wait3A_103, %dma_wait3A_105, %dma_wait3A_106] : memref<2x80x16xf32, #tpu.memory_space<vmem>> -> memref<1x80x16xf32, #tpu.memory_space<vmem>>
    %dma_wait3A_108 = tpu.memref_squeeze %dma_wait3A_107 : memref<1x80x16xf32, #tpu.memory_space<vmem>> -> memref<80x16xf32, #tpu.memory_space<vmem>>
    %dma_wait3A_109 = arith.constant 0 : i32
    %dma_wait3A_110 = tpu.memref_slice %arg8[%add3A_71, %dma_wait3A_109] : memref<320000x16xf32, #tpu.memory_space<hbm>> -> memref<80x16xf32, #tpu.memory_space<hbm>>
    %dma_wait3A_111 = tpu.memref_slice %arg17[%dma_wait3A_104] : memref<2x!tpu.dma_semaphore, #tpu.memory_space<semaphore_mem>> -> memref<1x!tpu.dma_semaphore, #tpu.memory_space<semaphore_mem>>
    %dma_wait3A_112 = tpu.memref_squeeze %dma_wait3A_111 : memref<1x!tpu.dma_semaphore, #tpu.memory_space<semaphore_mem>> -> memref<!tpu.dma_semaphore, #tpu.memory_space<semaphore_mem>>
    %dma_wait3A_113 = arith.constant 0 : i32
    %dma_wait3A_114 = tpu.memref_slice %arg8[%add3A_71, %dma_wait3A_113] : memref<320000x16xf32, #tpu.memory_space<hbm>> -> memref<80x16xf32, #tpu.memory_space<hbm>>
    %dma_wait3A_115 = arith.constant 0 : i32
    %dma_wait3A_116 = arith.constant 0 : i32
    %dma_wait3A_117 = tpu.memref_slice %arg14[%dma_wait3A_103, %dma_wait3A_115, %dma_wait3A_116] : memref<2x80x16xf32, #tpu.memory_space<vmem>> -> memref<1x80x16xf32, #tpu.memory_space<vmem>>
    %dma_wait3A_118 = tpu.memref_squeeze %dma_wait3A_117 : memref<1x80x16xf32, #tpu.memory_space<vmem>> -> memref<80x16xf32, #tpu.memory_space<vmem>>
    tpu.wait_dma2 semaphore(%dma_wait3A_112 : memref<!tpu.dma_semaphore, #tpu.memory_space<semaphore_mem>>) src(%dma_wait3A_118 : memref<80x16xf32, #tpu.memory_space<vmem>>) dst(%dma_wait3A_114 : memref<80x16xf32, #tpu.memory_space<hbm>>)
    %dma_wait3A_119 = arith.constant 0 : i32
    %dma_wait3A_120 = arith.constant 0 : i32
    %dma_wait3A_121 = arith.constant 0 : i32
    %dma_wait3A_122 = arith.constant 0 : i32
    %dma_wait3A_123 = tpu.memref_slice %arg15[%dma_wait3A_119, %dma_wait3A_121, %dma_wait3A_122] : memref<2x80x16xf32, #tpu.memory_space<vmem>> -> memref<1x80x16xf32, #tpu.memory_space<vmem>>
    %dma_wait3A_124 = tpu.memref_squeeze %dma_wait3A_123 : memref<1x80x16xf32, #tpu.memory_space<vmem>> -> memref<80x16xf32, #tpu.memory_space<vmem>>
    %dma_wait3A_125 = arith.constant 0 : i32
    %dma_wait3A_126 = tpu.memref_slice %arg9[%add3A_71, %dma_wait3A_125] : memref<320000x16xf32, #tpu.memory_space<hbm>> -> memref<80x16xf32, #tpu.memory_space<hbm>>
    %dma_wait3A_127 = tpu.memref_slice %arg17[%dma_wait3A_120] : memref<2x!tpu.dma_semaphore, #tpu.memory_space<semaphore_mem>> -> memref<1x!tpu.dma_semaphore, #tpu.memory_space<semaphore_mem>>
    %dma_wait3A_128 = tpu.memref_squeeze %dma_wait3A_127 : memref<1x!tpu.dma_semaphore, #tpu.memory_space<semaphore_mem>> -> memref<!tpu.dma_semaphore, #tpu.memory_space<semaphore_mem>>
    %dma_wait3A_129 = arith.constant 0 : i32
    %dma_wait3A_130 = tpu.memref_slice %arg9[%add3A_71, %dma_wait3A_129] : memref<320000x16xf32, #tpu.memory_space<hbm>> -> memref<80x16xf32, #tpu.memory_space<hbm>>
    %dma_wait3A_131 = arith.constant 0 : i32
    %dma_wait3A_132 = arith.constant 0 : i32
    %dma_wait3A_133 = tpu.memref_slice %arg15[%dma_wait3A_119, %dma_wait3A_131, %dma_wait3A_132] : memref<2x80x16xf32, #tpu.memory_space<vmem>> -> memref<1x80x16xf32, #tpu.memory_space<vmem>>
    %dma_wait3A_134 = tpu.memref_squeeze %dma_wait3A_133 : memref<1x80x16xf32, #tpu.memory_space<vmem>> -> memref<80x16xf32, #tpu.memory_space<vmem>>
    tpu.wait_dma2 semaphore(%dma_wait3A_128 : memref<!tpu.dma_semaphore, #tpu.memory_space<semaphore_mem>>) src(%dma_wait3A_134 : memref<80x16xf32, #tpu.memory_space<vmem>>) dst(%dma_wait3A_130 : memref<80x16xf32, #tpu.memory_space<hbm>>)
    return
  }
}

#map = affine_map<(d0, d1) -> (0, 0)>
#map1 = affine_map<(d0, d1) -> (0)>
module attributes {stable_mosaic.version = 14 : i64} {
  func.func @k(%arg0: i32, %arg1: i32, %arg2: memref<320000x128xf32, #tpu.memory_space<hbm>>, %arg3: memref<320000x16xf32, #tpu.memory_space<hbm>>, %arg4: memref<320000xi32, #tpu.memory_space<hbm>>, %arg5: memref<10000x128xf32, #tpu.memory_space<hbm>>, %arg6: memref<10000x16xf32, #tpu.memory_space<hbm>>, %arg7: memref<20000x128xf32, #tpu.memory_space<hbm>>, %arg8: memref<20000x16xf32, #tpu.memory_space<hbm>>, %arg9: memref<2x80xi32, #tpu.memory_space<vmem>>, %arg10: memref<2x80x128xf32, #tpu.memory_space<vmem>>, %arg11: memref<2x80x16xf32, #tpu.memory_space<vmem>>, %arg12: memref<2x!tpu.dma_semaphore, #tpu.memory_space<semaphore_mem>>, %arg13: memref<2x!tpu.dma_semaphore, #tpu.memory_space<semaphore_mem>>, %arg14: memref<10000x128xf32, #tpu.memory_space<vmem_shared>>, %arg15: memref<10000x16xf32, #tpu.memory_space<vmem_shared>>) attributes {dimension_semantics = [#tpu.dimension_semantics<core_parallel>, #tpu.dimension_semantics<subcore_parallel>], iteration_bounds = array<i64: 2, 16>, scalar_prefetch = 0 : i64, scratch_operands = 7 : i64, tpu.core_type = #tpu.core_type<sc_vector_subcore>, window_params = [{transform_indices = #map}, {transform_indices = #map}, {transform_indices = #map1}, {transform_indices = #map}, {transform_indices = #map}, {transform_indices = #map}, {transform_indices = #map}]} {
    %mul3A = arith.constant 2 : i32
    %mul3A_0 = arith.muli %arg1, %mul3A : i32
    %add3A = arith.addi %mul3A_0, %arg0 : i32
    %mul3A_1 = arith.constant 10000 : i32
    %mul3A_2 = arith.muli %add3A, %mul3A_1 : i32
    %add3A_3 = arith.constant 0 : i32
    %add3A_4 = arith.addi %mul3A_2, %add3A_3 : i32
    %dma_start3A = arith.constant 0 : i32
    %dma_start3A_5 = arith.constant 0 : i32
    %dma_start3A_6 = arith.constant 0 : i32
    %dma_start3A_7 = tpu.memref_slice %arg9[%dma_start3A, %dma_start3A_6] : memref<2x80xi32, #tpu.memory_space<vmem>> -> memref<1x80xi32, #tpu.memory_space<vmem>>
    %dma_start3A_8 = tpu.memref_squeeze %dma_start3A_7 : memref<1x80xi32, #tpu.memory_space<vmem>> -> memref<80xi32, #tpu.memory_space<vmem>>
    %dma_start3A_9 = tpu.memref_slice %arg4[%add3A_4] : memref<320000xi32, #tpu.memory_space<hbm>> -> memref<80xi32, #tpu.memory_space<hbm>>
    %dma_start3A_10 = tpu.memref_slice %arg12[%dma_start3A_5] : memref<2x!tpu.dma_semaphore, #tpu.memory_space<semaphore_mem>> -> memref<1x!tpu.dma_semaphore, #tpu.memory_space<semaphore_mem>>
    %dma_start3A_11 = tpu.memref_squeeze %dma_start3A_10 : memref<1x!tpu.dma_semaphore, #tpu.memory_space<semaphore_mem>> -> memref<!tpu.dma_semaphore, #tpu.memory_space<semaphore_mem>>
    %dma_start3A_12 = arith.constant 0 : i32
    %dma_start3A_13 = tpu.memref_slice %arg9[%dma_start3A, %dma_start3A_12] : memref<2x80xi32, #tpu.memory_space<vmem>> -> memref<1x80xi32, #tpu.memory_space<vmem>>
    %dma_start3A_14 = tpu.memref_squeeze %dma_start3A_13 : memref<1x80xi32, #tpu.memory_space<vmem>> -> memref<80xi32, #tpu.memory_space<vmem>>
    %dma_start3A_15 = tpu.memref_slice %arg4[%add3A_4] : memref<320000xi32, #tpu.memory_space<hbm>> -> memref<80xi32, #tpu.memory_space<hbm>>
    tpu.enqueue_dma source(%dma_start3A_15 : memref<80xi32, #tpu.memory_space<hbm>>) target(%dma_start3A_14 : memref<80xi32, #tpu.memory_space<vmem>>) target_semaphore(%dma_start3A_11 : memref<!tpu.dma_semaphore, #tpu.memory_space<semaphore_mem>>)
    %dma_start3A_16 = arith.constant 0 : i32
    %dma_start3A_17 = arith.constant 0 : i32
    %dma_start3A_18 = arith.constant 0 : i32
    %dma_start3A_19 = arith.constant 0 : i32
    %dma_start3A_20 = tpu.memref_slice %arg10[%dma_start3A_16, %dma_start3A_18, %dma_start3A_19] : memref<2x80x128xf32, #tpu.memory_space<vmem>> -> memref<1x80x128xf32, #tpu.memory_space<vmem>>
    %dma_start3A_21 = tpu.memref_squeeze %dma_start3A_20 : memref<1x80x128xf32, #tpu.memory_space<vmem>> -> memref<80x128xf32, #tpu.memory_space<vmem>>
    %dma_start3A_22 = arith.constant 0 : i32
    %dma_start3A_23 = tpu.memref_slice %arg2[%add3A_4, %dma_start3A_22] : memref<320000x128xf32, #tpu.memory_space<hbm>> -> memref<80x128xf32, #tpu.memory_space<hbm>>
    %dma_start3A_24 = tpu.memref_slice %arg12[%dma_start3A_17] : memref<2x!tpu.dma_semaphore, #tpu.memory_space<semaphore_mem>> -> memref<1x!tpu.dma_semaphore, #tpu.memory_space<semaphore_mem>>
    %dma_start3A_25 = tpu.memref_squeeze %dma_start3A_24 : memref<1x!tpu.dma_semaphore, #tpu.memory_space<semaphore_mem>> -> memref<!tpu.dma_semaphore, #tpu.memory_space<semaphore_mem>>
    %dma_start3A_26 = arith.constant 0 : i32
    %dma_start3A_27 = arith.constant 0 : i32
    %dma_start3A_28 = tpu.memref_slice %arg10[%dma_start3A_16, %dma_start3A_26, %dma_start3A_27] : memref<2x80x128xf32, #tpu.memory_space<vmem>> -> memref<1x80x128xf32, #tpu.memory_space<vmem>>
    %dma_start3A_29 = tpu.memref_squeeze %dma_start3A_28 : memref<1x80x128xf32, #tpu.memory_space<vmem>> -> memref<80x128xf32, #tpu.memory_space<vmem>>
    %dma_start3A_30 = arith.constant 0 : i32
    %dma_start3A_31 = tpu.memref_slice %arg2[%add3A_4, %dma_start3A_30] : memref<320000x128xf32, #tpu.memory_space<hbm>> -> memref<80x128xf32, #tpu.memory_space<hbm>>
    tpu.enqueue_dma source(%dma_start3A_31 : memref<80x128xf32, #tpu.memory_space<hbm>>) target(%dma_start3A_29 : memref<80x128xf32, #tpu.memory_space<vmem>>) target_semaphore(%dma_start3A_25 : memref<!tpu.dma_semaphore, #tpu.memory_space<semaphore_mem>>)
    %dma_start3A_32 = arith.constant 0 : i32
    %dma_start3A_33 = arith.constant 0 : i32
    %dma_start3A_34 = arith.constant 0 : i32
    %dma_start3A_35 = arith.constant 0 : i32
    %dma_start3A_36 = tpu.memref_slice %arg11[%dma_start3A_32, %dma_start3A_34, %dma_start3A_35] : memref<2x80x16xf32, #tpu.memory_space<vmem>> -> memref<1x80x16xf32, #tpu.memory_space<vmem>>
    %dma_start3A_37 = tpu.memref_squeeze %dma_start3A_36 : memref<1x80x16xf32, #tpu.memory_space<vmem>> -> memref<80x16xf32, #tpu.memory_space<vmem>>
    %dma_start3A_38 = arith.constant 0 : i32
    %dma_start3A_39 = tpu.memref_slice %arg3[%add3A_4, %dma_start3A_38] : memref<320000x16xf32, #tpu.memory_space<hbm>> -> memref<80x16xf32, #tpu.memory_space<hbm>>
    %dma_start3A_40 = tpu.memref_slice %arg12[%dma_start3A_33] : memref<2x!tpu.dma_semaphore, #tpu.memory_space<semaphore_mem>> -> memref<1x!tpu.dma_semaphore, #tpu.memory_space<semaphore_mem>>
    %dma_start3A_41 = tpu.memref_squeeze %dma_start3A_40 : memref<1x!tpu.dma_semaphore, #tpu.memory_space<semaphore_mem>> -> memref<!tpu.dma_semaphore, #tpu.memory_space<semaphore_mem>>
    %dma_start3A_42 = arith.constant 0 : i32
    %dma_start3A_43 = arith.constant 0 : i32
    %dma_start3A_44 = tpu.memref_slice %arg11[%dma_start3A_32, %dma_start3A_42, %dma_start3A_43] : memref<2x80x16xf32, #tpu.memory_space<vmem>> -> memref<1x80x16xf32, #tpu.memory_space<vmem>>
    %dma_start3A_45 = tpu.memref_squeeze %dma_start3A_44 : memref<1x80x16xf32, #tpu.memory_space<vmem>> -> memref<80x16xf32, #tpu.memory_space<vmem>>
    %dma_start3A_46 = arith.constant 0 : i32
    %dma_start3A_47 = tpu.memref_slice %arg3[%add3A_4, %dma_start3A_46] : memref<320000x16xf32, #tpu.memory_space<hbm>> -> memref<80x16xf32, #tpu.memory_space<hbm>>
    tpu.enqueue_dma source(%dma_start3A_47 : memref<80x16xf32, #tpu.memory_space<hbm>>) target(%dma_start3A_45 : memref<80x16xf32, #tpu.memory_space<vmem>>) target_semaphore(%dma_start3A_41 : memref<!tpu.dma_semaphore, #tpu.memory_space<semaphore_mem>>)
    %mul3A_48 = arith.constant 625 : i32
    %mul3A_49 = arith.muli %arg1, %mul3A_48 : i32
    %mul3A_50 = arith.constant 625 : i32
    %mul3A_51 = arith.muli %arg1, %mul3A_50 : i32
    "tpu.region"() ({
      %run_scoped3A = tpu.sem_alloc : memref<!tpu.dma_semaphore, #tpu.memory_space<semaphore_mem>>
      %dma_start3A_105 = arith.constant 0 : i32
      %dma_start3A_106 = tpu.memref_slice %arg14[%mul3A_51, %dma_start3A_105] : memref<10000x128xf32, #tpu.memory_space<vmem_shared>> -> memref<625x128xf32, #tpu.memory_space<vmem_shared>>
      %dma_start3A_107 = arith.constant 0 : i32
      %dma_start3A_108 = tpu.memref_slice %arg5[%mul3A_49, %dma_start3A_107] : memref<10000x128xf32, #tpu.memory_space<hbm>> -> memref<625x128xf32, #tpu.memory_space<hbm>>
      tpu.enqueue_dma source(%dma_start3A_108 : memref<625x128xf32, #tpu.memory_space<hbm>>) target(%dma_start3A_106 : memref<625x128xf32, #tpu.memory_space<vmem_shared>>) target_semaphore(%run_scoped3A : memref<!tpu.dma_semaphore, #tpu.memory_space<semaphore_mem>>)
      %dma_wait3A_109 = arith.constant 0 : i32
      %dma_wait3A_110 = tpu.memref_slice %arg14[%mul3A_51, %dma_wait3A_109] : memref<10000x128xf32, #tpu.memory_space<vmem_shared>> -> memref<625x128xf32, #tpu.memory_space<vmem_shared>>
      %dma_wait3A_111 = arith.constant 0 : i32
      %dma_wait3A_112 = tpu.memref_slice %arg5[%mul3A_49, %dma_wait3A_111] : memref<10000x128xf32, #tpu.memory_space<hbm>> -> memref<625x128xf32, #tpu.memory_space<hbm>>
      tpu.wait_dma2 semaphore(%run_scoped3A : memref<!tpu.dma_semaphore, #tpu.memory_space<semaphore_mem>>) src(%dma_wait3A_112 : memref<625x128xf32, #tpu.memory_space<hbm>>) dst(%dma_wait3A_110 : memref<625x128xf32, #tpu.memory_space<vmem_shared>>)
      tpu.yield
    }) : () -> ()
    %mul3A_52 = arith.constant 625 : i32
    %mul3A_53 = arith.muli %arg1, %mul3A_52 : i32
    %mul3A_54 = arith.constant 625 : i32
    %mul3A_55 = arith.muli %arg1, %mul3A_54 : i32
    "tpu.region"() ({
      %run_scoped3A = tpu.sem_alloc : memref<!tpu.dma_semaphore, #tpu.memory_space<semaphore_mem>>
      %dma_start3A_105 = arith.constant 0 : i32
      %dma_start3A_106 = tpu.memref_slice %arg15[%mul3A_55, %dma_start3A_105] : memref<10000x16xf32, #tpu.memory_space<vmem_shared>> -> memref<625x16xf32, #tpu.memory_space<vmem_shared>>
      %dma_start3A_107 = arith.constant 0 : i32
      %dma_start3A_108 = tpu.memref_slice %arg6[%mul3A_53, %dma_start3A_107] : memref<10000x16xf32, #tpu.memory_space<hbm>> -> memref<625x16xf32, #tpu.memory_space<hbm>>
      tpu.enqueue_dma source(%dma_start3A_108 : memref<625x16xf32, #tpu.memory_space<hbm>>) target(%dma_start3A_106 : memref<625x16xf32, #tpu.memory_space<vmem_shared>>) target_semaphore(%run_scoped3A : memref<!tpu.dma_semaphore, #tpu.memory_space<semaphore_mem>>)
      %dma_wait3A_109 = arith.constant 0 : i32
      %dma_wait3A_110 = tpu.memref_slice %arg15[%mul3A_55, %dma_wait3A_109] : memref<10000x16xf32, #tpu.memory_space<vmem_shared>> -> memref<625x16xf32, #tpu.memory_space<vmem_shared>>
      %dma_wait3A_111 = arith.constant 0 : i32
      %dma_wait3A_112 = tpu.memref_slice %arg6[%mul3A_53, %dma_wait3A_111] : memref<10000x16xf32, #tpu.memory_space<hbm>> -> memref<625x16xf32, #tpu.memory_space<hbm>>
      tpu.wait_dma2 semaphore(%run_scoped3A : memref<!tpu.dma_semaphore, #tpu.memory_space<semaphore_mem>>) src(%dma_wait3A_112 : memref<625x16xf32, #tpu.memory_space<hbm>>) dst(%dma_wait3A_110 : memref<625x16xf32, #tpu.memory_space<vmem_shared>>)
      tpu.yield
    }) : () -> ()
    %barrier3A = arith.constant 0 : index
    tpu.barrier barrier_id(%barrier3A)
    %scan3A = arith.constant 0 : i32
    %scan3A_56 = arith.constant 0 : i32
    %scan3A_57 = arith.constant 125 : i32
    %scan3A_58 = arith.addi %scan3A_56, %scan3A_57 : i32
    %scan3A_59 = arith.constant 1 : i32
    scf.for %scan3A_105 = %scan3A_56 to %scan3A_58 step %scan3A_59  : i32 {
      %rem3A = arith.constant 2 : i32
      %rem3A_106 = arith.remsi %scan3A_105, %rem3A : i32
      %sub3A = arith.constant 1 : i32
      %sub3A_107 = arith.subi %sub3A, %rem3A_106 : i32
      %ge3A = arith.constant 1 : i32
      %ge3A_108 = arith.cmpi sge, %scan3A_105, %ge3A : i32
      %convert_element_type3A = arith.extui %ge3A_108 : i1 to i32
      %cond3A = arith.constant 0 : i32
      %cond3A_109 = arith.cmpi ne, %convert_element_type3A, %cond3A : i32
      scf.if %cond3A_109 {
        %dma_wait3A_179 = arith.constant 0 : i32
        %dma_wait3A_180 = arith.constant 0 : i32
        %dma_wait3A_181 = tpu.memref_slice %arg10[%sub3A_107, %dma_wait3A_179, %dma_wait3A_180] : memref<2x80x128xf32, #tpu.memory_space<vmem>> -> memref<1x80x128xf32, #tpu.memory_space<vmem>>
        %dma_wait3A_182 = tpu.memref_squeeze %dma_wait3A_181 : memref<1x80x128xf32, #tpu.memory_space<vmem>> -> memref<80x128xf32, #tpu.memory_space<vmem>>
        %dma_wait3A_183 = arith.constant 0 : i32
        %dma_wait3A_184 = tpu.memref_slice %arg9[%sub3A_107, %dma_wait3A_183] : memref<2x80xi32, #tpu.memory_space<vmem>> -> memref<1x80xi32, #tpu.memory_space<vmem>>
        %dma_wait3A_185 = tpu.memref_squeeze %dma_wait3A_184 : memref<1x80xi32, #tpu.memory_space<vmem>> -> memref<80xi32, #tpu.memory_space<vmem>>
        %dma_wait3A_186 = arith.constant 0 : i32
        %dma_wait3A_187 = arith.constant 0 : i32
        %dma_wait3A_188 = tpu.memref_slice %arg14[%dma_wait3A_186, %dma_wait3A_187] : memref<10000x128xf32, #tpu.memory_space<vmem_shared>> -> memref<10000x128xf32, #tpu.memory_space<vmem_shared>>
        %dma_wait3A_189 = tpu.memref_slice %arg13[%sub3A_107] : memref<2x!tpu.dma_semaphore, #tpu.memory_space<semaphore_mem>> -> memref<1x!tpu.dma_semaphore, #tpu.memory_space<semaphore_mem>>
        %dma_wait3A_190 = tpu.memref_squeeze %dma_wait3A_189 : memref<1x!tpu.dma_semaphore, #tpu.memory_space<semaphore_mem>> -> memref<!tpu.dma_semaphore, #tpu.memory_space<semaphore_mem>>
        tpu.wait_indirect_dma semaphore(%dma_wait3A_190 : memref<!tpu.dma_semaphore, #tpu.memory_space<semaphore_mem>>) src(%dma_wait3A_182 : memref<80x128xf32, #tpu.memory_space<vmem>>) dst(%dma_wait3A_188 : memref<10000x128xf32, #tpu.memory_space<vmem_shared>>)
        %dma_wait3A_191 = arith.constant 0 : i32
        %dma_wait3A_192 = arith.constant 0 : i32
        %dma_wait3A_193 = tpu.memref_slice %arg11[%sub3A_107, %dma_wait3A_191, %dma_wait3A_192] : memref<2x80x16xf32, #tpu.memory_space<vmem>> -> memref<1x80x16xf32, #tpu.memory_space<vmem>>
        %dma_wait3A_194 = tpu.memref_squeeze %dma_wait3A_193 : memref<1x80x16xf32, #tpu.memory_space<vmem>> -> memref<80x16xf32, #tpu.memory_space<vmem>>
        %dma_wait3A_195 = arith.constant 0 : i32
        %dma_wait3A_196 = tpu.memref_slice %arg9[%sub3A_107, %dma_wait3A_195] : memref<2x80xi32, #tpu.memory_space<vmem>> -> memref<1x80xi32, #tpu.memory_space<vmem>>
        %dma_wait3A_197 = tpu.memref_squeeze %dma_wait3A_196 : memref<1x80xi32, #tpu.memory_space<vmem>> -> memref<80xi32, #tpu.memory_space<vmem>>
        %dma_wait3A_198 = arith.constant 0 : i32
        %dma_wait3A_199 = arith.constant 0 : i32
        %dma_wait3A_200 = tpu.memref_slice %arg15[%dma_wait3A_198, %dma_wait3A_199] : memref<10000x16xf32, #tpu.memory_space<vmem_shared>> -> memref<10000x16xf32, #tpu.memory_space<vmem_shared>>
        %dma_wait3A_201 = tpu.memref_slice %arg13[%sub3A_107] : memref<2x!tpu.dma_semaphore, #tpu.memory_space<semaphore_mem>> -> memref<1x!tpu.dma_semaphore, #tpu.memory_space<semaphore_mem>>
        %dma_wait3A_202 = tpu.memref_squeeze %dma_wait3A_201 : memref<1x!tpu.dma_semaphore, #tpu.memory_space<semaphore_mem>> -> memref<!tpu.dma_semaphore, #tpu.memory_space<semaphore_mem>>
        tpu.wait_indirect_dma semaphore(%dma_wait3A_202 : memref<!tpu.dma_semaphore, #tpu.memory_space<semaphore_mem>>) src(%dma_wait3A_194 : memref<80x16xf32, #tpu.memory_space<vmem>>) dst(%dma_wait3A_200 : memref<10000x16xf32, #tpu.memory_space<vmem_shared>>)
      } else {
      }
      %lt3A = arith.constant 124 : i32
      %lt3A_110 = arith.cmpi slt, %scan3A_105, %lt3A : i32
      %convert_element_type3A_111 = arith.extui %lt3A_110 : i1 to i32
      %cond3A_112 = arith.constant 0 : i32
      %cond3A_113 = arith.cmpi ne, %convert_element_type3A_111, %cond3A_112 : i32
      scf.if %cond3A_113 {
        %add3A_179 = arith.constant 1 : i32
        %add3A_180 = arith.addi %scan3A_105, %add3A_179 : i32
        %mul3A_181 = arith.constant 80 : i32
        %mul3A_182 = arith.muli %add3A_180, %mul3A_181 : i32
        %add3A_183 = arith.addi %mul3A_2, %mul3A_182 : i32
        %dma_start3A_184 = arith.constant 0 : i32
        %dma_start3A_185 = tpu.memref_slice %arg9[%sub3A_107, %dma_start3A_184] : memref<2x80xi32, #tpu.memory_space<vmem>> -> memref<1x80xi32, #tpu.memory_space<vmem>>
        %dma_start3A_186 = tpu.memref_squeeze %dma_start3A_185 : memref<1x80xi32, #tpu.memory_space<vmem>> -> memref<80xi32, #tpu.memory_space<vmem>>
        %dma_start3A_187 = tpu.memref_slice %arg4[%add3A_183] : memref<320000xi32, #tpu.memory_space<hbm>> -> memref<80xi32, #tpu.memory_space<hbm>>
        %dma_start3A_188 = tpu.memref_slice %arg12[%sub3A_107] : memref<2x!tpu.dma_semaphore, #tpu.memory_space<semaphore_mem>> -> memref<1x!tpu.dma_semaphore, #tpu.memory_space<semaphore_mem>>
        %dma_start3A_189 = tpu.memref_squeeze %dma_start3A_188 : memref<1x!tpu.dma_semaphore, #tpu.memory_space<semaphore_mem>> -> memref<!tpu.dma_semaphore, #tpu.memory_space<semaphore_mem>>
        %dma_start3A_190 = arith.constant 0 : i32
        %dma_start3A_191 = tpu.memref_slice %arg9[%sub3A_107, %dma_start3A_190] : memref<2x80xi32, #tpu.memory_space<vmem>> -> memref<1x80xi32, #tpu.memory_space<vmem>>
        %dma_start3A_192 = tpu.memref_squeeze %dma_start3A_191 : memref<1x80xi32, #tpu.memory_space<vmem>> -> memref<80xi32, #tpu.memory_space<vmem>>
        %dma_start3A_193 = tpu.memref_slice %arg4[%add3A_183] : memref<320000xi32, #tpu.memory_space<hbm>> -> memref<80xi32, #tpu.memory_space<hbm>>
        tpu.enqueue_dma source(%dma_start3A_193 : memref<80xi32, #tpu.memory_space<hbm>>) target(%dma_start3A_192 : memref<80xi32, #tpu.memory_space<vmem>>) target_semaphore(%dma_start3A_189 : memref<!tpu.dma_semaphore, #tpu.memory_space<semaphore_mem>>)
        %dma_start3A_194 = arith.constant 0 : i32
        %dma_start3A_195 = arith.constant 0 : i32
        %dma_start3A_196 = tpu.memref_slice %arg10[%sub3A_107, %dma_start3A_194, %dma_start3A_195] : memref<2x80x128xf32, #tpu.memory_space<vmem>> -> memref<1x80x128xf32, #tpu.memory_space<vmem>>
        %dma_start3A_197 = tpu.memref_squeeze %dma_start3A_196 : memref<1x80x128xf32, #tpu.memory_space<vmem>> -> memref<80x128xf32, #tpu.memory_space<vmem>>
        %dma_start3A_198 = arith.constant 0 : i32
        %dma_start3A_199 = tpu.memref_slice %arg2[%add3A_183, %dma_start3A_198] : memref<320000x128xf32, #tpu.memory_space<hbm>> -> memref<80x128xf32, #tpu.memory_space<hbm>>
        %dma_start3A_200 = tpu.memref_slice %arg12[%sub3A_107] : memref<2x!tpu.dma_semaphore, #tpu.memory_space<semaphore_mem>> -> memref<1x!tpu.dma_semaphore, #tpu.memory_space<semaphore_mem>>
        %dma_start3A_201 = tpu.memref_squeeze %dma_start3A_200 : memref<1x!tpu.dma_semaphore, #tpu.memory_space<semaphore_mem>> -> memref<!tpu.dma_semaphore, #tpu.memory_space<semaphore_mem>>
        %dma_start3A_202 = arith.constant 0 : i32
        %dma_start3A_203 = arith.constant 0 : i32
        %dma_start3A_204 = tpu.memref_slice %arg10[%sub3A_107, %dma_start3A_202, %dma_start3A_203] : memref<2x80x128xf32, #tpu.memory_space<vmem>> -> memref<1x80x128xf32, #tpu.memory_space<vmem>>
        %dma_start3A_205 = tpu.memref_squeeze %dma_start3A_204 : memref<1x80x128xf32, #tpu.memory_space<vmem>> -> memref<80x128xf32, #tpu.memory_space<vmem>>
        %dma_start3A_206 = arith.constant 0 : i32
        %dma_start3A_207 = tpu.memref_slice %arg2[%add3A_183, %dma_start3A_206] : memref<320000x128xf32, #tpu.memory_space<hbm>> -> memref<80x128xf32, #tpu.memory_space<hbm>>
        tpu.enqueue_dma source(%dma_start3A_207 : memref<80x128xf32, #tpu.memory_space<hbm>>) target(%dma_start3A_205 : memref<80x128xf32, #tpu.memory_space<vmem>>) target_semaphore(%dma_start3A_201 : memref<!tpu.dma_semaphore, #tpu.memory_space<semaphore_mem>>)
        %dma_start3A_208 = arith.constant 0 : i32
        %dma_start3A_209 = arith.constant 0 : i32
        %dma_start3A_210 = tpu.memref_slice %arg11[%sub3A_107, %dma_start3A_208, %dma_start3A_209] : memref<2x80x16xf32, #tpu.memory_space<vmem>> -> memref<1x80x16xf32, #tpu.memory_space<vmem>>
        %dma_start3A_211 = tpu.memref_squeeze %dma_start3A_210 : memref<1x80x16xf32, #tpu.memory_space<vmem>> -> memref<80x16xf32, #tpu.memory_space<vmem>>
        %dma_start3A_212 = arith.constant 0 : i32
        %dma_start3A_213 = tpu.memref_slice %arg3[%add3A_183, %dma_start3A_212] : memref<320000x16xf32, #tpu.memory_space<hbm>> -> memref<80x16xf32, #tpu.memory_space<hbm>>
        %dma_start3A_214 = tpu.memref_slice %arg12[%sub3A_107] : memref<2x!tpu.dma_semaphore, #tpu.memory_space<semaphore_mem>> -> memref<1x!tpu.dma_semaphore, #tpu.memory_space<semaphore_mem>>
        %dma_start3A_215 = tpu.memref_squeeze %dma_start3A_214 : memref<1x!tpu.dma_semaphore, #tpu.memory_space<semaphore_mem>> -> memref<!tpu.dma_semaphore, #tpu.memory_space<semaphore_mem>>
        %dma_start3A_216 = arith.constant 0 : i32
        %dma_start3A_217 = arith.constant 0 : i32
        %dma_start3A_218 = tpu.memref_slice %arg11[%sub3A_107, %dma_start3A_216, %dma_start3A_217] : memref<2x80x16xf32, #tpu.memory_space<vmem>> -> memref<1x80x16xf32, #tpu.memory_space<vmem>>
        %dma_start3A_219 = tpu.memref_squeeze %dma_start3A_218 : memref<1x80x16xf32, #tpu.memory_space<vmem>> -> memref<80x16xf32, #tpu.memory_space<vmem>>
        %dma_start3A_220 = arith.constant 0 : i32
        %dma_start3A_221 = tpu.memref_slice %arg3[%add3A_183, %dma_start3A_220] : memref<320000x16xf32, #tpu.memory_space<hbm>> -> memref<80x16xf32, #tpu.memory_space<hbm>>
        tpu.enqueue_dma source(%dma_start3A_221 : memref<80x16xf32, #tpu.memory_space<hbm>>) target(%dma_start3A_219 : memref<80x16xf32, #tpu.memory_space<vmem>>) target_semaphore(%dma_start3A_215 : memref<!tpu.dma_semaphore, #tpu.memory_space<semaphore_mem>>)
      } else {
      }
      %mul3A_114 = arith.constant 80 : i32
      %mul3A_115 = arith.muli %scan3A_105, %mul3A_114 : i32
      %add3A_116 = arith.addi %mul3A_2, %mul3A_115 : i32
      %dma_wait3A_117 = arith.constant 0 : i32
      %dma_wait3A_118 = tpu.memref_slice %arg9[%rem3A_106, %dma_wait3A_117] : memref<2x80xi32, #tpu.memory_space<vmem>> -> memref<1x80xi32, #tpu.memory_space<vmem>>
      %dma_wait3A_119 = tpu.memref_squeeze %dma_wait3A_118 : memref<1x80xi32, #tpu.memory_space<vmem>> -> memref<80xi32, #tpu.memory_space<vmem>>
      %dma_wait3A_120 = tpu.memref_slice %arg4[%add3A_116] : memref<320000xi32, #tpu.memory_space<hbm>> -> memref<80xi32, #tpu.memory_space<hbm>>
      %dma_wait3A_121 = tpu.memref_slice %arg12[%rem3A_106] : memref<2x!tpu.dma_semaphore, #tpu.memory_space<semaphore_mem>> -> memref<1x!tpu.dma_semaphore, #tpu.memory_space<semaphore_mem>>
      %dma_wait3A_122 = tpu.memref_squeeze %dma_wait3A_121 : memref<1x!tpu.dma_semaphore, #tpu.memory_space<semaphore_mem>> -> memref<!tpu.dma_semaphore, #tpu.memory_space<semaphore_mem>>
      %dma_wait3A_123 = arith.constant 0 : i32
      %dma_wait3A_124 = tpu.memref_slice %arg9[%rem3A_106, %dma_wait3A_123] : memref<2x80xi32, #tpu.memory_space<vmem>> -> memref<1x80xi32, #tpu.memory_space<vmem>>
      %dma_wait3A_125 = tpu.memref_squeeze %dma_wait3A_124 : memref<1x80xi32, #tpu.memory_space<vmem>> -> memref<80xi32, #tpu.memory_space<vmem>>
      %dma_wait3A_126 = tpu.memref_slice %arg4[%add3A_116] : memref<320000xi32, #tpu.memory_space<hbm>> -> memref<80xi32, #tpu.memory_space<hbm>>
      tpu.wait_dma2 semaphore(%dma_wait3A_122 : memref<!tpu.dma_semaphore, #tpu.memory_space<semaphore_mem>>) src(%dma_wait3A_126 : memref<80xi32, #tpu.memory_space<hbm>>) dst(%dma_wait3A_125 : memref<80xi32, #tpu.memory_space<vmem>>)
      %dma_wait3A_127 = arith.constant 0 : i32
      %dma_wait3A_128 = arith.constant 0 : i32
      %dma_wait3A_129 = tpu.memref_slice %arg10[%rem3A_106, %dma_wait3A_127, %dma_wait3A_128] : memref<2x80x128xf32, #tpu.memory_space<vmem>> -> memref<1x80x128xf32, #tpu.memory_space<vmem>>
      %dma_wait3A_130 = tpu.memref_squeeze %dma_wait3A_129 : memref<1x80x128xf32, #tpu.memory_space<vmem>> -> memref<80x128xf32, #tpu.memory_space<vmem>>
      %dma_wait3A_131 = arith.constant 0 : i32
      %dma_wait3A_132 = tpu.memref_slice %arg2[%add3A_116, %dma_wait3A_131] : memref<320000x128xf32, #tpu.memory_space<hbm>> -> memref<80x128xf32, #tpu.memory_space<hbm>>
      %dma_wait3A_133 = tpu.memref_slice %arg12[%rem3A_106] : memref<2x!tpu.dma_semaphore, #tpu.memory_space<semaphore_mem>> -> memref<1x!tpu.dma_semaphore, #tpu.memory_space<semaphore_mem>>
      %dma_wait3A_134 = tpu.memref_squeeze %dma_wait3A_133 : memref<1x!tpu.dma_semaphore, #tpu.memory_space<semaphore_mem>> -> memref<!tpu.dma_semaphore, #tpu.memory_space<semaphore_mem>>
      %dma_wait3A_135 = arith.constant 0 : i32
      %dma_wait3A_136 = arith.constant 0 : i32
      %dma_wait3A_137 = tpu.memref_slice %arg10[%rem3A_106, %dma_wait3A_135, %dma_wait3A_136] : memref<2x80x128xf32, #tpu.memory_space<vmem>> -> memref<1x80x128xf32, #tpu.memory_space<vmem>>
      %dma_wait3A_138 = tpu.memref_squeeze %dma_wait3A_137 : memref<1x80x128xf32, #tpu.memory_space<vmem>> -> memref<80x128xf32, #tpu.memory_space<vmem>>
      %dma_wait3A_139 = arith.constant 0 : i32
      %dma_wait3A_140 = tpu.memref_slice %arg2[%add3A_116, %dma_wait3A_139] : memref<320000x128xf32, #tpu.memory_space<hbm>> -> memref<80x128xf32, #tpu.memory_space<hbm>>
      tpu.wait_dma2 semaphore(%dma_wait3A_134 : memref<!tpu.dma_semaphore, #tpu.memory_space<semaphore_mem>>) src(%dma_wait3A_140 : memref<80x128xf32, #tpu.memory_space<hbm>>) dst(%dma_wait3A_138 : memref<80x128xf32, #tpu.memory_space<vmem>>)
      %dma_wait3A_141 = arith.constant 0 : i32
      %dma_wait3A_142 = arith.constant 0 : i32
      %dma_wait3A_143 = tpu.memref_slice %arg11[%rem3A_106, %dma_wait3A_141, %dma_wait3A_142] : memref<2x80x16xf32, #tpu.memory_space<vmem>> -> memref<1x80x16xf32, #tpu.memory_space<vmem>>
      %dma_wait3A_144 = tpu.memref_squeeze %dma_wait3A_143 : memref<1x80x16xf32, #tpu.memory_space<vmem>> -> memref<80x16xf32, #tpu.memory_space<vmem>>
      %dma_wait3A_145 = arith.constant 0 : i32
      %dma_wait3A_146 = tpu.memref_slice %arg3[%add3A_116, %dma_wait3A_145] : memref<320000x16xf32, #tpu.memory_space<hbm>> -> memref<80x16xf32, #tpu.memory_space<hbm>>
      %dma_wait3A_147 = tpu.memref_slice %arg12[%rem3A_106] : memref<2x!tpu.dma_semaphore, #tpu.memory_space<semaphore_mem>> -> memref<1x!tpu.dma_semaphore, #tpu.memory_space<semaphore_mem>>
      %dma_wait3A_148 = tpu.memref_squeeze %dma_wait3A_147 : memref<1x!tpu.dma_semaphore, #tpu.memory_space<semaphore_mem>> -> memref<!tpu.dma_semaphore, #tpu.memory_space<semaphore_mem>>
      %dma_wait3A_149 = arith.constant 0 : i32
      %dma_wait3A_150 = arith.constant 0 : i32
      %dma_wait3A_151 = tpu.memref_slice %arg11[%rem3A_106, %dma_wait3A_149, %dma_wait3A_150] : memref<2x80x16xf32, #tpu.memory_space<vmem>> -> memref<1x80x16xf32, #tpu.memory_space<vmem>>
      %dma_wait3A_152 = tpu.memref_squeeze %dma_wait3A_151 : memref<1x80x16xf32, #tpu.memory_space<vmem>> -> memref<80x16xf32, #tpu.memory_space<vmem>>
      %dma_wait3A_153 = arith.constant 0 : i32
      %dma_wait3A_154 = tpu.memref_slice %arg3[%add3A_116, %dma_wait3A_153] : memref<320000x16xf32, #tpu.memory_space<hbm>> -> memref<80x16xf32, #tpu.memory_space<hbm>>
      tpu.wait_dma2 semaphore(%dma_wait3A_148 : memref<!tpu.dma_semaphore, #tpu.memory_space<semaphore_mem>>) src(%dma_wait3A_154 : memref<80x16xf32, #tpu.memory_space<hbm>>) dst(%dma_wait3A_152 : memref<80x16xf32, #tpu.memory_space<vmem>>)
      %dma_start3A_155 = arith.constant 0 : i32
      %dma_start3A_156 = arith.constant 0 : i32
      %dma_start3A_157 = tpu.memref_slice %arg10[%rem3A_106, %dma_start3A_155, %dma_start3A_156] : memref<2x80x128xf32, #tpu.memory_space<vmem>> -> memref<1x80x128xf32, #tpu.memory_space<vmem>>
      %dma_start3A_158 = tpu.memref_squeeze %dma_start3A_157 : memref<1x80x128xf32, #tpu.memory_space<vmem>> -> memref<80x128xf32, #tpu.memory_space<vmem>>
      %dma_start3A_159 = arith.constant 0 : i32
      %dma_start3A_160 = tpu.memref_slice %arg9[%rem3A_106, %dma_start3A_159] : memref<2x80xi32, #tpu.memory_space<vmem>> -> memref<1x80xi32, #tpu.memory_space<vmem>>
      %dma_start3A_161 = tpu.memref_squeeze %dma_start3A_160 : memref<1x80xi32, #tpu.memory_space<vmem>> -> memref<80xi32, #tpu.memory_space<vmem>>
      %dma_start3A_162 = arith.constant 0 : i32
      %dma_start3A_163 = arith.constant 0 : i32
      %dma_start3A_164 = tpu.memref_slice %arg14[%dma_start3A_162, %dma_start3A_163] : memref<10000x128xf32, #tpu.memory_space<vmem_shared>> -> memref<10000x128xf32, #tpu.memory_space<vmem_shared>>
      %dma_start3A_165 = tpu.memref_slice %arg13[%rem3A_106] : memref<2x!tpu.dma_semaphore, #tpu.memory_space<semaphore_mem>> -> memref<1x!tpu.dma_semaphore, #tpu.memory_space<semaphore_mem>>
      %dma_start3A_166 = tpu.memref_squeeze %dma_start3A_165 : memref<1x!tpu.dma_semaphore, #tpu.memory_space<semaphore_mem>> -> memref<!tpu.dma_semaphore, #tpu.memory_space<semaphore_mem>>
      tpu.enqueue_indirect_dma source(%dma_start3A_158 : memref<80x128xf32, #tpu.memory_space<vmem>>) target(%dma_start3A_164 : memref<10000x128xf32, #tpu.memory_space<vmem_shared>>) offsets(%dma_start3A_161 : memref<80xi32, #tpu.memory_space<vmem>>) semaphore(%dma_start3A_166 : memref<!tpu.dma_semaphore, #tpu.memory_space<semaphore_mem>>) {add = true}
      %dma_start3A_167 = arith.constant 0 : i32
      %dma_start3A_168 = arith.constant 0 : i32
      %dma_start3A_169 = tpu.memref_slice %arg11[%rem3A_106, %dma_start3A_167, %dma_start3A_168] : memref<2x80x16xf32, #tpu.memory_space<vmem>> -> memref<1x80x16xf32, #tpu.memory_space<vmem>>
      %dma_start3A_170 = tpu.memref_squeeze %dma_start3A_169 : memref<1x80x16xf32, #tpu.memory_space<vmem>> -> memref<80x16xf32, #tpu.memory_space<vmem>>
      %dma_start3A_171 = arith.constant 0 : i32
      %dma_start3A_172 = tpu.memref_slice %arg9[%rem3A_106, %dma_start3A_171] : memref<2x80xi32, #tpu.memory_space<vmem>> -> memref<1x80xi32, #tpu.memory_space<vmem>>
      %dma_start3A_173 = tpu.memref_squeeze %dma_start3A_172 : memref<1x80xi32, #tpu.memory_space<vmem>> -> memref<80xi32, #tpu.memory_space<vmem>>
      %dma_start3A_174 = arith.constant 0 : i32
      %dma_start3A_175 = arith.constant 0 : i32
      %dma_start3A_176 = tpu.memref_slice %arg15[%dma_start3A_174, %dma_start3A_175] : memref<10000x16xf32, #tpu.memory_space<vmem_shared>> -> memref<10000x16xf32, #tpu.memory_space<vmem_shared>>
      %dma_start3A_177 = tpu.memref_slice %arg13[%rem3A_106] : memref<2x!tpu.dma_semaphore, #tpu.memory_space<semaphore_mem>> -> memref<1x!tpu.dma_semaphore, #tpu.memory_space<semaphore_mem>>
      %dma_start3A_178 = tpu.memref_squeeze %dma_start3A_177 : memref<1x!tpu.dma_semaphore, #tpu.memory_space<semaphore_mem>> -> memref<!tpu.dma_semaphore, #tpu.memory_space<semaphore_mem>>
      tpu.enqueue_indirect_dma source(%dma_start3A_170 : memref<80x16xf32, #tpu.memory_space<vmem>>) target(%dma_start3A_176 : memref<10000x16xf32, #tpu.memory_space<vmem_shared>>) offsets(%dma_start3A_173 : memref<80xi32, #tpu.memory_space<vmem>>) semaphore(%dma_start3A_178 : memref<!tpu.dma_semaphore, #tpu.memory_space<semaphore_mem>>) {add = true}
    }
    %scan3A_60 = arith.constant 125 : i32
    %dma_wait3A = arith.constant 0 : i32
    %dma_wait3A_61 = arith.constant 0 : i32
    %dma_wait3A_62 = arith.constant 0 : i32
    %dma_wait3A_63 = arith.constant 0 : i32
    %dma_wait3A_64 = arith.constant 0 : i32
    %dma_wait3A_65 = tpu.memref_slice %arg10[%dma_wait3A, %dma_wait3A_63, %dma_wait3A_64] : memref<2x80x128xf32, #tpu.memory_space<vmem>> -> memref<1x80x128xf32, #tpu.memory_space<vmem>>
    %dma_wait3A_66 = tpu.memref_squeeze %dma_wait3A_65 : memref<1x80x128xf32, #tpu.memory_space<vmem>> -> memref<80x128xf32, #tpu.memory_space<vmem>>
    %dma_wait3A_67 = arith.constant 0 : i32
    %dma_wait3A_68 = tpu.memref_slice %arg9[%dma_wait3A_61, %dma_wait3A_67] : memref<2x80xi32, #tpu.memory_space<vmem>> -> memref<1x80xi32, #tpu.memory_space<vmem>>
    %dma_wait3A_69 = tpu.memref_squeeze %dma_wait3A_68 : memref<1x80xi32, #tpu.memory_space<vmem>> -> memref<80xi32, #tpu.memory_space<vmem>>
    %dma_wait3A_70 = arith.constant 0 : i32
    %dma_wait3A_71 = arith.constant 0 : i32
    %dma_wait3A_72 = tpu.memref_slice %arg14[%dma_wait3A_70, %dma_wait3A_71] : memref<10000x128xf32, #tpu.memory_space<vmem_shared>> -> memref<10000x128xf32, #tpu.memory_space<vmem_shared>>
    %dma_wait3A_73 = tpu.memref_slice %arg13[%dma_wait3A_62] : memref<2x!tpu.dma_semaphore, #tpu.memory_space<semaphore_mem>> -> memref<1x!tpu.dma_semaphore, #tpu.memory_space<semaphore_mem>>
    %dma_wait3A_74 = tpu.memref_squeeze %dma_wait3A_73 : memref<1x!tpu.dma_semaphore, #tpu.memory_space<semaphore_mem>> -> memref<!tpu.dma_semaphore, #tpu.memory_space<semaphore_mem>>
    tpu.wait_indirect_dma semaphore(%dma_wait3A_74 : memref<!tpu.dma_semaphore, #tpu.memory_space<semaphore_mem>>) src(%dma_wait3A_66 : memref<80x128xf32, #tpu.memory_space<vmem>>) dst(%dma_wait3A_72 : memref<10000x128xf32, #tpu.memory_space<vmem_shared>>)
    %dma_wait3A_75 = arith.constant 0 : i32
    %dma_wait3A_76 = arith.constant 0 : i32
    %dma_wait3A_77 = arith.constant 0 : i32
    %dma_wait3A_78 = arith.constant 0 : i32
    %dma_wait3A_79 = arith.constant 0 : i32
    %dma_wait3A_80 = tpu.memref_slice %arg11[%dma_wait3A_75, %dma_wait3A_78, %dma_wait3A_79] : memref<2x80x16xf32, #tpu.memory_space<vmem>> -> memref<1x80x16xf32, #tpu.memory_space<vmem>>
    %dma_wait3A_81 = tpu.memref_squeeze %dma_wait3A_80 : memref<1x80x16xf32, #tpu.memory_space<vmem>> -> memref<80x16xf32, #tpu.memory_space<vmem>>
    %dma_wait3A_82 = arith.constant 0 : i32
    %dma_wait3A_83 = tpu.memref_slice %arg9[%dma_wait3A_76, %dma_wait3A_82] : memref<2x80xi32, #tpu.memory_space<vmem>> -> memref<1x80xi32, #tpu.memory_space<vmem>>
    %dma_wait3A_84 = tpu.memref_squeeze %dma_wait3A_83 : memref<1x80xi32, #tpu.memory_space<vmem>> -> memref<80xi32, #tpu.memory_space<vmem>>
    %dma_wait3A_85 = arith.constant 0 : i32
    %dma_wait3A_86 = arith.constant 0 : i32
    %dma_wait3A_87 = tpu.memref_slice %arg15[%dma_wait3A_85, %dma_wait3A_86] : memref<10000x16xf32, #tpu.memory_space<vmem_shared>> -> memref<10000x16xf32, #tpu.memory_space<vmem_shared>>
    %dma_wait3A_88 = tpu.memref_slice %arg13[%dma_wait3A_77] : memref<2x!tpu.dma_semaphore, #tpu.memory_space<semaphore_mem>> -> memref<1x!tpu.dma_semaphore, #tpu.memory_space<semaphore_mem>>
    %dma_wait3A_89 = tpu.memref_squeeze %dma_wait3A_88 : memref<1x!tpu.dma_semaphore, #tpu.memory_space<semaphore_mem>> -> memref<!tpu.dma_semaphore, #tpu.memory_space<semaphore_mem>>
    tpu.wait_indirect_dma semaphore(%dma_wait3A_89 : memref<!tpu.dma_semaphore, #tpu.memory_space<semaphore_mem>>) src(%dma_wait3A_81 : memref<80x16xf32, #tpu.memory_space<vmem>>) dst(%dma_wait3A_87 : memref<10000x16xf32, #tpu.memory_space<vmem_shared>>)
    %barrier3A_90 = arith.constant 0 : index
    tpu.barrier barrier_id(%barrier3A_90)
    %mul3A_91 = arith.constant 625 : i32
    %mul3A_92 = arith.muli %arg1, %mul3A_91 : i32
    %mul3A_93 = arith.constant 10000 : i32
    %mul3A_94 = arith.muli %arg0, %mul3A_93 : i32
    %mul3A_95 = arith.constant 625 : i32
    %mul3A_96 = arith.muli %arg1, %mul3A_95 : i32
    %add3A_97 = arith.addi %mul3A_94, %mul3A_96 : i32
    "tpu.region"() ({
      %run_scoped3A = tpu.sem_alloc : memref<!tpu.dma_semaphore, #tpu.memory_space<semaphore_mem>>
      %dma_start3A_105 = arith.constant 0 : i32
      %dma_start3A_106 = tpu.memref_slice %arg7[%add3A_97, %dma_start3A_105] : memref<20000x128xf32, #tpu.memory_space<hbm>> -> memref<625x128xf32, #tpu.memory_space<hbm>>
      %dma_start3A_107 = arith.constant 0 : i32
      %dma_start3A_108 = tpu.memref_slice %arg14[%mul3A_92, %dma_start3A_107] : memref<10000x128xf32, #tpu.memory_space<vmem_shared>> -> memref<625x128xf32, #tpu.memory_space<vmem_shared>>
      tpu.enqueue_dma source(%dma_start3A_108 : memref<625x128xf32, #tpu.memory_space<vmem_shared>>) target(%dma_start3A_106 : memref<625x128xf32, #tpu.memory_space<hbm>>) target_semaphore(%run_scoped3A : memref<!tpu.dma_semaphore, #tpu.memory_space<semaphore_mem>>)
      %dma_wait3A_109 = arith.constant 0 : i32
      %dma_wait3A_110 = tpu.memref_slice %arg7[%add3A_97, %dma_wait3A_109] : memref<20000x128xf32, #tpu.memory_space<hbm>> -> memref<625x128xf32, #tpu.memory_space<hbm>>
      %dma_wait3A_111 = arith.constant 0 : i32
      %dma_wait3A_112 = tpu.memref_slice %arg14[%mul3A_92, %dma_wait3A_111] : memref<10000x128xf32, #tpu.memory_space<vmem_shared>> -> memref<625x128xf32, #tpu.memory_space<vmem_shared>>
      tpu.wait_dma2 semaphore(%run_scoped3A : memref<!tpu.dma_semaphore, #tpu.memory_space<semaphore_mem>>) src(%dma_wait3A_112 : memref<625x128xf32, #tpu.memory_space<vmem_shared>>) dst(%dma_wait3A_110 : memref<625x128xf32, #tpu.memory_space<hbm>>)
      tpu.yield
    }) : () -> ()
    %mul3A_98 = arith.constant 625 : i32
    %mul3A_99 = arith.muli %arg1, %mul3A_98 : i32
    %mul3A_100 = arith.constant 10000 : i32
    %mul3A_101 = arith.muli %arg0, %mul3A_100 : i32
    %mul3A_102 = arith.constant 625 : i32
    %mul3A_103 = arith.muli %arg1, %mul3A_102 : i32
    %add3A_104 = arith.addi %mul3A_101, %mul3A_103 : i32
    "tpu.region"() ({
      %run_scoped3A = tpu.sem_alloc : memref<!tpu.dma_semaphore, #tpu.memory_space<semaphore_mem>>
      %dma_start3A_105 = arith.constant 0 : i32
      %dma_start3A_106 = tpu.memref_slice %arg8[%add3A_104, %dma_start3A_105] : memref<20000x16xf32, #tpu.memory_space<hbm>> -> memref<625x16xf32, #tpu.memory_space<hbm>>
      %dma_start3A_107 = arith.constant 0 : i32
      %dma_start3A_108 = tpu.memref_slice %arg15[%mul3A_99, %dma_start3A_107] : memref<10000x16xf32, #tpu.memory_space<vmem_shared>> -> memref<625x16xf32, #tpu.memory_space<vmem_shared>>
      tpu.enqueue_dma source(%dma_start3A_108 : memref<625x16xf32, #tpu.memory_space<vmem_shared>>) target(%dma_start3A_106 : memref<625x16xf32, #tpu.memory_space<hbm>>) target_semaphore(%run_scoped3A : memref<!tpu.dma_semaphore, #tpu.memory_space<semaphore_mem>>)
      %dma_wait3A_109 = arith.constant 0 : i32
      %dma_wait3A_110 = tpu.memref_slice %arg8[%add3A_104, %dma_wait3A_109] : memref<20000x16xf32, #tpu.memory_space<hbm>> -> memref<625x16xf32, #tpu.memory_space<hbm>>
      %dma_wait3A_111 = arith.constant 0 : i32
      %dma_wait3A_112 = tpu.memref_slice %arg15[%mul3A_99, %dma_wait3A_111] : memref<10000x16xf32, #tpu.memory_space<vmem_shared>> -> memref<625x16xf32, #tpu.memory_space<vmem_shared>>
      tpu.wait_dma2 semaphore(%run_scoped3A : memref<!tpu.dma_semaphore, #tpu.memory_space<semaphore_mem>>) src(%dma_wait3A_112 : memref<625x16xf32, #tpu.memory_space<vmem_shared>>) dst(%dma_wait3A_110 : memref<625x16xf32, #tpu.memory_space<hbm>>)
      tpu.yield
    }) : () -> ()
    return
  }
}

module attributes {stable_mosaic.version = 14 : i64} {
  func.func @body(%arg0: i32, %arg1: memref<1600x128xf32, #tpu.memory_space<vmem>>, %arg2: memref<1600x128xf32, #tpu.memory_space<vmem>>, %arg3: memref<1600x16xf32, #tpu.memory_space<vmem>>, %arg4: memref<1600x16xf32, #tpu.memory_space<vmem>>, %arg5: memref<128x128xf32, #tpu.memory_space<vmem>>, %arg6: memref<128x128xf32, #tpu.memory_space<vmem>>, %arg7: memref<1x128xf32, #tpu.memory_space<vmem>>, %arg8: memref<1x128xf32, #tpu.memory_space<vmem>>, %arg9: memref<128x128xf32, #tpu.memory_space<vmem>>, %arg10: memref<1x128xf32, #tpu.memory_space<vmem>>, %arg11: memref<128x128xf32, #tpu.memory_space<vmem>>, %arg12: memref<1x128xf32, #tpu.memory_space<vmem>>, %arg13: memref<1x128xf32, #tpu.memory_space<vmem>>, %arg14: memref<1600x128xf32, #tpu.memory_space<vmem>>, %arg15: memref<1600x16xf32, #tpu.memory_space<vmem>>) attributes {dimension_semantics = [#tpu.dimension_semantics<arbitrary>], iteration_bounds = array<i64: 200>, scalar_prefetch = 0 : i64, scratch_operands = 0 : i64, tpu.core_type = #tpu.core_type<tc>, window_params = [{transform_indices = @transform_0, window_bounds = array<i64: 1600, 128>}, {transform_indices = @transform_1, window_bounds = array<i64: 1600, 128>}, {transform_indices = @transform_2, window_bounds = array<i64: 1600, 16>}, {transform_indices = @transform_3, window_bounds = array<i64: 1600, 16>}, {pipeline_mode = #tpu.pipeline_mode<synchronous>, transform_indices = @transform_4, window_bounds = array<i64: 128, 128>}, {pipeline_mode = #tpu.pipeline_mode<synchronous>, transform_indices = @transform_5, window_bounds = array<i64: 128, 128>}, {pipeline_mode = #tpu.pipeline_mode<synchronous>, transform_indices = @transform_6, window_bounds = array<i64: 1, 128>}, {pipeline_mode = #tpu.pipeline_mode<synchronous>, transform_indices = @transform_7, window_bounds = array<i64: 1, 128>}, {pipeline_mode = #tpu.pipeline_mode<synchronous>, transform_indices = @transform_8, window_bounds = array<i64: 128, 128>}, {pipeline_mode = #tpu.pipeline_mode<synchronous>, transform_indices = @transform_9, window_bounds = array<i64: 1, 128>}, {pipeline_mode = #tpu.pipeline_mode<synchronous>, transform_indices = @transform_10, window_bounds = array<i64: 128, 128>}, {pipeline_mode = #tpu.pipeline_mode<synchronous>, transform_indices = @transform_11, window_bounds = array<i64: 1, 128>}, {pipeline_mode = #tpu.pipeline_mode<synchronous>, transform_indices = @transform_12, window_bounds = array<i64: 1, 128>}, {transform_indices = @transform_13, window_bounds = array<i64: 1600, 128>}, {transform_indices = @transform_14, window_bounds = array<i64: 1600, 16>}]} {
    %get3A = arith.constant 0 : index
    %get3A_0 = arith.constant 0 : index
    %get3A_1 = vector.load %arg3[%get3A, %get3A_0] : memref<1600x16xf32, #tpu.memory_space<vmem>>, vector<1600x16xf32>
    %get3A_2 = arith.constant 0 : index
    %get3A_3 = arith.constant 0 : index
    %get3A_4 = vector.load %arg4[%get3A_2, %get3A_3] : memref<1600x16xf32, #tpu.memory_space<vmem>>, vector<1600x16xf32>
    %sub3A = arith.subf %get3A_1, %get3A_4 : vector<1600x16xf32>
    %mul3A = arith.mulf %sub3A, %sub3A : vector<1600x16xf32>
    %reduce_sum3A = arith.constant dense<0.000000e+00> : vector<1600xf32>
    %reduce_sum3A_5 = vector.multi_reduction <add>, %mul3A, %reduce_sum3A [1] : vector<1600x16xf32> to vector<1600xf32>
    %broadcast_in_dim3A = vector.shape_cast %reduce_sum3A_5 : vector<1600xf32> to vector<1600x1xf32>
    %get3A_6 = arith.constant 0 : index
    %get3A_7 = arith.constant 0 : index
    %get3A_8 = vector.load %arg1[%get3A_6, %get3A_7] : memref<1600x128xf32, #tpu.memory_space<vmem>>, vector<1600x128xf32>
    %convert_element_type3A = arith.truncf %get3A_8 : vector<1600x128xf32> to vector<1600x128xbf16>
    %get3A_9 = arith.constant 0 : index
    %get3A_10 = arith.constant 0 : index
    %get3A_11 = vector.load %arg5[%get3A_9, %get3A_10] : memref<128x128xf32, #tpu.memory_space<vmem>>, vector<128x128xf32>
    %convert_element_type3A_12 = arith.truncf %get3A_11 : vector<128x128xf32> to vector<128x128xbf16>
    %dot_general3A = arith.constant dense<0.000000e+00> : vector<1600x128xf32>
    %dot_general3A_13 = tpu.matmul %convert_element_type3A, %convert_element_type3A_12, %dot_general3A {dimension_numbers = #tpu.dot_dimension_numbers<[1], [0], [0], [1], [0, 0, 1, 1], [], []>, transpose_lhs_hint = false} : vector<1600x128xbf16>, vector<128x128xbf16>, vector<1600x128xf32> -> vector<1600x128xf32>
    %get3A_14 = arith.constant 0 : index
    %get3A_15 = arith.constant 0 : index
    %get3A_16 = vector.load %arg2[%get3A_14, %get3A_15] : memref<1600x128xf32, #tpu.memory_space<vmem>>, vector<1600x128xf32>
    %convert_element_type3A_17 = arith.truncf %get3A_16 : vector<1600x128xf32> to vector<1600x128xbf16>
    %get3A_18 = arith.constant 0 : index
    %get3A_19 = arith.constant 0 : index
    %get3A_20 = vector.load %arg6[%get3A_18, %get3A_19] : memref<128x128xf32, #tpu.memory_space<vmem>>, vector<128x128xf32>
    %convert_element_type3A_21 = arith.truncf %get3A_20 : vector<128x128xf32> to vector<128x128xbf16>
    %dot_general3A_22 = arith.constant dense<0.000000e+00> : vector<1600x128xf32>
    %dot_general3A_23 = tpu.matmul %convert_element_type3A_17, %convert_element_type3A_21, %dot_general3A_22 {dimension_numbers = #tpu.dot_dimension_numbers<[1], [0], [0], [1], [0, 0, 1, 1], [], []>, transpose_lhs_hint = false} : vector<1600x128xbf16>, vector<128x128xbf16>, vector<1600x128xf32> -> vector<1600x128xf32>
    %add3A = arith.addf %dot_general3A_13, %dot_general3A_23 : vector<1600x128xf32>
    %get3A_24 = arith.constant 0 : index
    %get3A_25 = arith.constant 0 : index
    %get3A_26 = vector.load %arg7[%get3A_24, %get3A_25] : memref<1x128xf32, #tpu.memory_space<vmem>>, vector<1x128xf32>
    %mul3A_27 = vector.broadcast %broadcast_in_dim3A : vector<1600x1xf32> to vector<1600x128xf32>
    %mul3A_28 = vector.broadcast %get3A_26 : vector<1x128xf32> to vector<1600x128xf32>
    %mul3A_29 = arith.mulf %mul3A_27, %mul3A_28 : vector<1600x128xf32>
    %add3A_30 = arith.addf %add3A, %mul3A_29 : vector<1600x128xf32>
    %get3A_31 = arith.constant 0 : index
    %get3A_32 = arith.constant 0 : index
    %get3A_33 = vector.load %arg8[%get3A_31, %get3A_32] : memref<1x128xf32, #tpu.memory_space<vmem>>, vector<1x128xf32>
    %add3A_34 = vector.broadcast %get3A_33 : vector<1x128xf32> to vector<1600x128xf32>
    %add3A_35 = arith.addf %add3A_30, %add3A_34 : vector<1600x128xf32>
    %neg3A = arith.constant 0.000000e+00 : f32
    %neg3A_36 = vector.broadcast %neg3A : f32 to vector<1600x128xf32>
    %neg3A_37 = arith.subf %neg3A_36, %add3A_35 : vector<1600x128xf32>
    %exp3A = math.exp %neg3A_37 : vector<1600x128xf32>
    %add3A_38 = arith.constant 1.000000e+00 : f32
    %add3A_39 = vector.broadcast %add3A_38 : f32 to vector<1600x128xf32>
    %add3A_40 = arith.addf %add3A_39, %exp3A : vector<1600x128xf32>
    %div3A = arith.constant 1.000000e+00 : f32
    %div3A_41 = vector.broadcast %div3A : f32 to vector<1600x128xf32>
    %div3A_42 = arith.divf %div3A_41, %add3A_40 : vector<1600x128xf32>
    %mul3A_43 = arith.mulf %add3A_35, %div3A_42 : vector<1600x128xf32>
    %convert_element_type3A_44 = arith.truncf %mul3A_43 : vector<1600x128xf32> to vector<1600x128xbf16>
    %get3A_45 = arith.constant 0 : index
    %get3A_46 = arith.constant 0 : index
    %get3A_47 = vector.load %arg9[%get3A_45, %get3A_46] : memref<128x128xf32, #tpu.memory_space<vmem>>, vector<128x128xf32>
    %convert_element_type3A_48 = arith.truncf %get3A_47 : vector<128x128xf32> to vector<128x128xbf16>
    %dot_general3A_49 = arith.constant dense<0.000000e+00> : vector<1600x128xf32>
    %dot_general3A_50 = tpu.matmul %convert_element_type3A_44, %convert_element_type3A_48, %dot_general3A_49 {dimension_numbers = #tpu.dot_dimension_numbers<[1], [0], [0], [1], [0, 0, 1, 1], [], []>, transpose_lhs_hint = false} : vector<1600x128xbf16>, vector<128x128xbf16>, vector<1600x128xf32> -> vector<1600x128xf32>
    %get3A_51 = arith.constant 0 : index
    %get3A_52 = arith.constant 0 : index
    %get3A_53 = vector.load %arg10[%get3A_51, %get3A_52] : memref<1x128xf32, #tpu.memory_space<vmem>>, vector<1x128xf32>
    %add3A_54 = vector.broadcast %get3A_53 : vector<1x128xf32> to vector<1600x128xf32>
    %add3A_55 = arith.addf %dot_general3A_50, %add3A_54 : vector<1600x128xf32>
    %neg3A_56 = arith.constant 0.000000e+00 : f32
    %neg3A_57 = vector.broadcast %neg3A_56 : f32 to vector<1600x128xf32>
    %neg3A_58 = arith.subf %neg3A_57, %add3A_55 : vector<1600x128xf32>
    %exp3A_59 = math.exp %neg3A_58 : vector<1600x128xf32>
    %add3A_60 = arith.constant 1.000000e+00 : f32
    %add3A_61 = vector.broadcast %add3A_60 : f32 to vector<1600x128xf32>
    %add3A_62 = arith.addf %add3A_61, %exp3A_59 : vector<1600x128xf32>
    %div3A_63 = arith.constant 1.000000e+00 : f32
    %div3A_64 = vector.broadcast %div3A_63 : f32 to vector<1600x128xf32>
    %div3A_65 = arith.divf %div3A_64, %add3A_62 : vector<1600x128xf32>
    %mul3A_66 = arith.mulf %add3A_55, %div3A_65 : vector<1600x128xf32>
    %convert_element_type3A_67 = arith.truncf %mul3A_66 : vector<1600x128xf32> to vector<1600x128xbf16>
    %get3A_68 = arith.constant 0 : index
    %get3A_69 = arith.constant 0 : index
    %get3A_70 = vector.load %arg11[%get3A_68, %get3A_69] : memref<128x128xf32, #tpu.memory_space<vmem>>, vector<128x128xf32>
    %convert_element_type3A_71 = arith.truncf %get3A_70 : vector<128x128xf32> to vector<128x128xbf16>
    %dot_general3A_72 = arith.constant dense<0.000000e+00> : vector<1600x128xf32>
    %dot_general3A_73 = tpu.matmul %convert_element_type3A_67, %convert_element_type3A_71, %dot_general3A_72 {dimension_numbers = #tpu.dot_dimension_numbers<[1], [0], [0], [1], [0, 0, 1, 1], [], []>, transpose_lhs_hint = false} : vector<1600x128xbf16>, vector<128x128xbf16>, vector<1600x128xf32> -> vector<1600x128xf32>
    %get3A_74 = arith.constant 0 : index
    %get3A_75 = arith.constant 0 : index
    %get3A_76 = vector.load %arg12[%get3A_74, %get3A_75] : memref<1x128xf32, #tpu.memory_space<vmem>>, vector<1x128xf32>
    %add3A_77 = vector.broadcast %get3A_76 : vector<1x128xf32> to vector<1600x128xf32>
    %add3A_78 = arith.addf %dot_general3A_73, %add3A_77 : vector<1600x128xf32>
    %neg3A_79 = arith.constant 0.000000e+00 : f32
    %neg3A_80 = vector.broadcast %neg3A_79 : f32 to vector<1600x128xf32>
    %neg3A_81 = arith.subf %neg3A_80, %add3A_78 : vector<1600x128xf32>
    %exp3A_82 = math.exp %neg3A_81 : vector<1600x128xf32>
    %add3A_83 = arith.constant 1.000000e+00 : f32
    %add3A_84 = vector.broadcast %add3A_83 : f32 to vector<1600x128xf32>
    %add3A_85 = arith.addf %add3A_84, %exp3A_82 : vector<1600x128xf32>
    %div3A_86 = arith.constant 1.000000e+00 : f32
    %div3A_87 = vector.broadcast %div3A_86 : f32 to vector<1600x128xf32>
    %div3A_88 = arith.divf %div3A_87, %add3A_85 : vector<1600x128xf32>
    %mul3A_89 = arith.mulf %add3A_78, %div3A_88 : vector<1600x128xf32>
    %get3A_90 = arith.constant 0 : index
    %get3A_91 = arith.constant 0 : index
    %get3A_92 = vector.load %arg13[%get3A_90, %get3A_91] : memref<1x128xf32, #tpu.memory_space<vmem>>, vector<1x128xf32>
    %mul3A_93 = vector.broadcast %get3A_92 : vector<1x128xf32> to vector<1600x128xf32>
    %mul3A_94 = arith.mulf %mul3A_89, %mul3A_93 : vector<1600x128xf32>
    %reduce_sum3A_95 = arith.constant dense<0.000000e+00> : vector<1600xf32>
    %reduce_sum3A_96 = vector.multi_reduction <add>, %mul3A_94, %reduce_sum3A_95 [1] : vector<1600x128xf32> to vector<1600xf32>
    %broadcast_in_dim3A_97 = vector.shape_cast %reduce_sum3A_96 : vector<1600xf32> to vector<1600x1xf32>
    %swap3A = arith.constant 0 : index
    %swap3A_98 = arith.constant 0 : index
    %swap3A_99 = vector.load %arg14[%swap3A, %swap3A_98] : memref<1600x128xf32, #tpu.memory_space<vmem>>, vector<1600x128xf32>
    tpu.vector_store %arg14[%swap3A, %swap3A_98], %mul3A_66 {strides = array<i32>} : memref<1600x128xf32, #tpu.memory_space<vmem>>, vector<1600x128xf32>,
    %mul3A_100 = vector.broadcast %broadcast_in_dim3A_97 : vector<1600x1xf32> to vector<1600x16xf32>
    %mul3A_101 = arith.mulf %sub3A, %mul3A_100 : vector<1600x16xf32>
    %swap3A_102 = arith.constant 0 : index
    %swap3A_103 = arith.constant 0 : index
    %swap3A_104 = vector.load %arg15[%swap3A_102, %swap3A_103] : memref<1600x16xf32, #tpu.memory_space<vmem>>, vector<1600x16xf32>
    tpu.vector_store %arg15[%swap3A_102, %swap3A_103], %mul3A_101 {strides = array<i32>} : memref<1600x16xf32, #tpu.memory_space<vmem>>, vector<1600x16xf32>,
    return
  }
  func.func @transform_0(%arg0: i32) -> (i32, i32) {
    %c0_i32 = arith.constant 0 : i32
    %c0_i32_0 = arith.constant 0 : i32
    return %arg0, %c0_i32 : i32, i32
  }
  func.func @transform_1(%arg0: i32) -> (i32, i32) {
    %c0_i32 = arith.constant 0 : i32
    %c0_i32_0 = arith.constant 0 : i32
    return %arg0, %c0_i32 : i32, i32
  }
  func.func @transform_2(%arg0: i32) -> (i32, i32) {
    %c0_i32 = arith.constant 0 : i32
    %c0_i32_0 = arith.constant 0 : i32
    return %arg0, %c0_i32 : i32, i32
  }
  func.func @transform_3(%arg0: i32) -> (i32, i32) {
    %c0_i32 = arith.constant 0 : i32
    %c0_i32_0 = arith.constant 0 : i32
    return %arg0, %c0_i32 : i32, i32
  }
  func.func @transform_4(%arg0: i32) -> (i32, i32) {
    %c0_i32 = arith.constant 0 : i32
    %c0_i32_0 = arith.constant 0 : i32
    %c0_i32_1 = arith.constant 0 : i32
    return %c0_i32, %c0_i32_0 : i32, i32
  }
  func.func @transform_5(%arg0: i32) -> (i32, i32) {
    %c0_i32 = arith.constant 0 : i32
    %c0_i32_0 = arith.constant 0 : i32
    %c0_i32_1 = arith.constant 0 : i32
    return %c0_i32, %c0_i32_0 : i32, i32
  }
  func.func @transform_6(%arg0: i32) -> (i32, i32) {
    %c0_i32 = arith.constant 0 : i32
    %c0_i32_0 = arith.constant 0 : i32
    %c0_i32_1 = arith.constant 0 : i32
    return %c0_i32, %c0_i32_0 : i32, i32
  }
  func.func @transform_7(%arg0: i32) -> (i32, i32) {
    %c0_i32 = arith.constant 0 : i32
    %c0_i32_0 = arith.constant 0 : i32
    %c0_i32_1 = arith.constant 0 : i32
    return %c0_i32, %c0_i32_0 : i32, i32
  }
  func.func @transform_8(%arg0: i32) -> (i32, i32) {
    %c0_i32 = arith.constant 0 : i32
    %c0_i32_0 = arith.constant 0 : i32
    %c0_i32_1 = arith.constant 0 : i32
    return %c0_i32, %c0_i32_0 : i32, i32
  }
  func.func @transform_9(%arg0: i32) -> (i32, i32) {
    %c0_i32 = arith.constant 0 : i32
    %c0_i32_0 = arith.constant 0 : i32
    %c0_i32_1 = arith.constant 0 : i32
    return %c0_i32, %c0_i32_0 : i32, i32
  }
  func.func @transform_10(%arg0: i32) -> (i32, i32) {
    %c0_i32 = arith.constant 0 : i32
    %c0_i32_0 = arith.constant 0 : i32
    %c0_i32_1 = arith.constant 0 : i32
    return %c0_i32, %c0_i32_0 : i32, i32
  }
  func.func @transform_11(%arg0: i32) -> (i32, i32) {
    %c0_i32 = arith.constant 0 : i32
    %c0_i32_0 = arith.constant 0 : i32
    %c0_i32_1 = arith.constant 0 : i32
    return %c0_i32, %c0_i32_0 : i32, i32
  }
  func.func @transform_12(%arg0: i32) -> (i32, i32) {
    %c0_i32 = arith.constant 0 : i32
    %c0_i32_0 = arith.constant 0 : i32
    %c0_i32_1 = arith.constant 0 : i32
    return %c0_i32, %c0_i32_0 : i32, i32
  }
  func.func @transform_13(%arg0: i32) -> (i32, i32) {
    %c0_i32 = arith.constant 0 : i32
    %c0_i32_0 = arith.constant 0 : i32
    return %arg0, %c0_i32 : i32, i32
  }
  func.func @transform_14(%arg0: i32) -> (i32, i32) {
    %c0_i32 = arith.constant 0 : i32
    %c0_i32_0 = arith.constant 0 : i32
    return %arg0, %c0_i32 : i32, i32
  }
}

module attributes {stable_mosaic.version = 14 : i64} {
  func.func @body(%arg0: i32, %arg1: memref<2000x128xf32, #tpu.memory_space<vmem>>, %arg2: memref<2000x16xf32, #tpu.memory_space<vmem>>, %arg3: memref<2000x128xf32, #tpu.memory_space<vmem>>, %arg4: memref<2000x128xf32, #tpu.memory_space<vmem>>, %arg5: memref<2000x16xf32, #tpu.memory_space<vmem>>, %arg6: memref<2000x16xf32, #tpu.memory_space<vmem>>, %arg7: memref<128x128xf32, #tpu.memory_space<vmem>>, %arg8: memref<128x128xf32, #tpu.memory_space<vmem>>, %arg9: memref<1x128xf32, #tpu.memory_space<vmem>>, %arg10: memref<128x128xf32, #tpu.memory_space<vmem>>, %arg11: memref<1x128xf32, #tpu.memory_space<vmem>>, %arg12: memref<2000x128xf32, #tpu.memory_space<vmem>>, %arg13: memref<2000x16xf32, #tpu.memory_space<vmem>>) attributes {dimension_semantics = [#tpu.dimension_semantics<arbitrary>], iteration_bounds = array<i64: 5>, scalar_prefetch = 0 : i64, scratch_operands = 0 : i64, tpu.core_type = #tpu.core_type<tc>, window_params = [{transform_indices = @transform_0, window_bounds = array<i64: 2000, 128>}, {transform_indices = @transform_1, window_bounds = array<i64: 2000, 16>}, {transform_indices = @transform_2, window_bounds = array<i64: 2000, 128>}, {transform_indices = @transform_3, window_bounds = array<i64: 2000, 128>}, {transform_indices = @transform_4, window_bounds = array<i64: 2000, 16>}, {transform_indices = @transform_5, window_bounds = array<i64: 2000, 16>}, {pipeline_mode = #tpu.pipeline_mode<synchronous>, transform_indices = @transform_6, window_bounds = array<i64: 128, 128>}, {pipeline_mode = #tpu.pipeline_mode<synchronous>, transform_indices = @transform_7, window_bounds = array<i64: 128, 128>}, {pipeline_mode = #tpu.pipeline_mode<synchronous>, transform_indices = @transform_8, window_bounds = array<i64: 1, 128>}, {pipeline_mode = #tpu.pipeline_mode<synchronous>, transform_indices = @transform_9, window_bounds = array<i64: 128, 128>}, {pipeline_mode = #tpu.pipeline_mode<synchronous>, transform_indices = @transform_10, window_bounds = array<i64: 1, 128>}, {transform_indices = @transform_11, window_bounds = array<i64: 2000, 128>}, {transform_indices = @transform_12, window_bounds = array<i64: 2000, 16>}]} {
    %get3A = arith.constant 0 : index
    %get3A_0 = arith.constant 0 : index
    %get3A_1 = vector.load %arg1[%get3A, %get3A_0] : memref<2000x128xf32, #tpu.memory_space<vmem>>, vector<2000x128xf32>
    %get3A_2 = arith.constant 0 : index
    %get3A_3 = arith.constant 0 : index
    %get3A_4 = vector.load %arg3[%get3A_2, %get3A_3] : memref<2000x128xf32, #tpu.memory_space<vmem>>, vector<2000x128xf32>
    %get3A_5 = arith.constant 0 : index
    %get3A_6 = arith.constant 0 : index
    %get3A_7 = vector.load %arg4[%get3A_5, %get3A_6] : memref<2000x128xf32, #tpu.memory_space<vmem>>, vector<2000x128xf32>
    %add3A = arith.addf %get3A_4, %get3A_7 : vector<2000x128xf32>
    %convert_element_type3A = arith.truncf %get3A_1 : vector<2000x128xf32> to vector<2000x128xbf16>
    %get3A_8 = arith.constant 0 : index
    %get3A_9 = arith.constant 0 : index
    %get3A_10 = vector.load %arg7[%get3A_8, %get3A_9] : memref<128x128xf32, #tpu.memory_space<vmem>>, vector<128x128xf32>
    %convert_element_type3A_11 = arith.truncf %get3A_10 : vector<128x128xf32> to vector<128x128xbf16>
    %dot_general3A = arith.constant dense<0.000000e+00> : vector<2000x128xf32>
    %dot_general3A_12 = tpu.matmul %convert_element_type3A, %convert_element_type3A_11, %dot_general3A {dimension_numbers = #tpu.dot_dimension_numbers<[1], [0], [0], [1], [0, 0, 1, 1], [], []>, transpose_lhs_hint = false} : vector<2000x128xbf16>, vector<128x128xbf16>, vector<2000x128xf32> -> vector<2000x128xf32>
    %convert_element_type3A_13 = arith.truncf %add3A : vector<2000x128xf32> to vector<2000x128xbf16>
    %get3A_14 = arith.constant 0 : index
    %get3A_15 = arith.constant 0 : index
    %get3A_16 = vector.load %arg8[%get3A_14, %get3A_15] : memref<128x128xf32, #tpu.memory_space<vmem>>, vector<128x128xf32>
    %convert_element_type3A_17 = arith.truncf %get3A_16 : vector<128x128xf32> to vector<128x128xbf16>
    %dot_general3A_18 = arith.constant dense<0.000000e+00> : vector<2000x128xf32>
    %dot_general3A_19 = tpu.matmul %convert_element_type3A_13, %convert_element_type3A_17, %dot_general3A_18 {dimension_numbers = #tpu.dot_dimension_numbers<[1], [0], [0], [1], [0, 0, 1, 1], [], []>, transpose_lhs_hint = false} : vector<2000x128xbf16>, vector<128x128xbf16>, vector<2000x128xf32> -> vector<2000x128xf32>
    %add3A_20 = arith.addf %dot_general3A_12, %dot_general3A_19 : vector<2000x128xf32>
    %get3A_21 = arith.constant 0 : index
    %get3A_22 = arith.constant 0 : index
    %get3A_23 = vector.load %arg9[%get3A_21, %get3A_22] : memref<1x128xf32, #tpu.memory_space<vmem>>, vector<1x128xf32>
    %add3A_24 = vector.broadcast %get3A_23 : vector<1x128xf32> to vector<2000x128xf32>
    %add3A_25 = arith.addf %add3A_20, %add3A_24 : vector<2000x128xf32>
    %neg3A = arith.constant 0.000000e+00 : f32
    %neg3A_26 = vector.broadcast %neg3A : f32 to vector<2000x128xf32>
    %neg3A_27 = arith.subf %neg3A_26, %add3A_25 : vector<2000x128xf32>
    %exp3A = math.exp %neg3A_27 : vector<2000x128xf32>
    %add3A_28 = arith.constant 1.000000e+00 : f32
    %add3A_29 = vector.broadcast %add3A_28 : f32 to vector<2000x128xf32>
    %add3A_30 = arith.addf %add3A_29, %exp3A : vector<2000x128xf32>
    %div3A = arith.constant 1.000000e+00 : f32
    %div3A_31 = vector.broadcast %div3A : f32 to vector<2000x128xf32>
    %div3A_32 = arith.divf %div3A_31, %add3A_30 : vector<2000x128xf32>
    %mul3A = arith.mulf %add3A_25, %div3A_32 : vector<2000x128xf32>
    %convert_element_type3A_33 = arith.truncf %mul3A : vector<2000x128xf32> to vector<2000x128xbf16>
    %get3A_34 = arith.constant 0 : index
    %get3A_35 = arith.constant 0 : index
    %get3A_36 = vector.load %arg10[%get3A_34, %get3A_35] : memref<128x128xf32, #tpu.memory_space<vmem>>, vector<128x128xf32>
    %convert_element_type3A_37 = arith.truncf %get3A_36 : vector<128x128xf32> to vector<128x128xbf16>
    %dot_general3A_38 = arith.constant dense<0.000000e+00> : vector<2000x128xf32>
    %dot_general3A_39 = tpu.matmul %convert_element_type3A_33, %convert_element_type3A_37, %dot_general3A_38 {dimension_numbers = #tpu.dot_dimension_numbers<[1], [0], [0], [1], [0, 0, 1, 1], [], []>, transpose_lhs_hint = false} : vector<2000x128xbf16>, vector<128x128xbf16>, vector<2000x128xf32> -> vector<2000x128xf32>
    %get3A_40 = arith.constant 0 : index
    %get3A_41 = arith.constant 0 : index
    %get3A_42 = vector.load %arg11[%get3A_40, %get3A_41] : memref<1x128xf32, #tpu.memory_space<vmem>>, vector<1x128xf32>
    %add3A_43 = vector.broadcast %get3A_42 : vector<1x128xf32> to vector<2000x128xf32>
    %add3A_44 = arith.addf %dot_general3A_39, %add3A_43 : vector<2000x128xf32>
    %add3A_45 = arith.addf %add3A_44, %get3A_1 : vector<2000x128xf32>
    %swap3A = arith.constant 0 : index
    %swap3A_46 = arith.constant 0 : index
    %swap3A_47 = vector.load %arg12[%swap3A, %swap3A_46] : memref<2000x128xf32, #tpu.memory_space<vmem>>, vector<2000x128xf32>
    tpu.vector_store %arg12[%swap3A, %swap3A_46], %add3A_45 {strides = array<i32>} : memref<2000x128xf32, #tpu.memory_space<vmem>>, vector<2000x128xf32>,
    %get3A_48 = arith.constant 0 : index
    %get3A_49 = arith.constant 0 : index
    %get3A_50 = vector.load %arg2[%get3A_48, %get3A_49] : memref<2000x16xf32, #tpu.memory_space<vmem>>, vector<2000x16xf32>
    %get3A_51 = arith.constant 0 : index
    %get3A_52 = arith.constant 0 : index
    %get3A_53 = vector.load %arg5[%get3A_51, %get3A_52] : memref<2000x16xf32, #tpu.memory_space<vmem>>, vector<2000x16xf32>
    %add3A_54 = arith.addf %get3A_50, %get3A_53 : vector<2000x16xf32>
    %get3A_55 = arith.constant 0 : index
    %get3A_56 = arith.constant 0 : index
    %get3A_57 = vector.load %arg6[%get3A_55, %get3A_56] : memref<2000x16xf32, #tpu.memory_space<vmem>>, vector<2000x16xf32>
    %add3A_58 = arith.addf %add3A_54, %get3A_57 : vector<2000x16xf32>
    %swap3A_59 = arith.constant 0 : index
    %swap3A_60 = arith.constant 0 : index
    %swap3A_61 = vector.load %arg13[%swap3A_59, %swap3A_60] : memref<2000x16xf32, #tpu.memory_space<vmem>>, vector<2000x16xf32>
    tpu.vector_store %arg13[%swap3A_59, %swap3A_60], %add3A_58 {strides = array<i32>} : memref<2000x16xf32, #tpu.memory_space<vmem>>, vector<2000x16xf32>,
    return
  }
  func.func @transform_0(%arg0: i32) -> (i32, i32) {
    %c0_i32 = arith.constant 0 : i32
    %c0_i32_0 = arith.constant 0 : i32
    return %arg0, %c0_i32 : i32, i32
  }
  func.func @transform_1(%arg0: i32) -> (i32, i32) {
    %c0_i32 = arith.constant 0 : i32
    %c0_i32_0 = arith.constant 0 : i32
    return %arg0, %c0_i32 : i32, i32
  }
  func.func @transform_2(%arg0: i32) -> (i32, i32) {
    %c0_i32 = arith.constant 0 : i32
    %c0_i32_0 = arith.constant 0 : i32
    return %arg0, %c0_i32 : i32, i32
  }
  func.func @transform_3(%arg0: i32) -> (i32, i32) {
    %c0_i32 = arith.constant 0 : i32
    %c0_i32_0 = arith.constant 0 : i32
    return %arg0, %c0_i32 : i32, i32
  }
  func.func @transform_4(%arg0: i32) -> (i32, i32) {
    %c0_i32 = arith.constant 0 : i32
    %c0_i32_0 = arith.constant 0 : i32
    return %arg0, %c0_i32 : i32, i32
  }
  func.func @transform_5(%arg0: i32) -> (i32, i32) {
    %c0_i32 = arith.constant 0 : i32
    %c0_i32_0 = arith.constant 0 : i32
    return %arg0, %c0_i32 : i32, i32
  }
  func.func @transform_6(%arg0: i32) -> (i32, i32) {
    %c0_i32 = arith.constant 0 : i32
    %c0_i32_0 = arith.constant 0 : i32
    %c0_i32_1 = arith.constant 0 : i32
    return %c0_i32, %c0_i32_0 : i32, i32
  }
  func.func @transform_7(%arg0: i32) -> (i32, i32) {
    %c0_i32 = arith.constant 0 : i32
    %c0_i32_0 = arith.constant 0 : i32
    %c0_i32_1 = arith.constant 0 : i32
    return %c0_i32, %c0_i32_0 : i32, i32
  }
  func.func @transform_8(%arg0: i32) -> (i32, i32) {
    %c0_i32 = arith.constant 0 : i32
    %c0_i32_0 = arith.constant 0 : i32
    %c0_i32_1 = arith.constant 0 : i32
    return %c0_i32, %c0_i32_0 : i32, i32
  }
  func.func @transform_9(%arg0: i32) -> (i32, i32) {
    %c0_i32 = arith.constant 0 : i32
    %c0_i32_0 = arith.constant 0 : i32
    %c0_i32_1 = arith.constant 0 : i32
    return %c0_i32, %c0_i32_0 : i32, i32
  }
  func.func @transform_10(%arg0: i32) -> (i32, i32) {
    %c0_i32 = arith.constant 0 : i32
    %c0_i32_0 = arith.constant 0 : i32
    %c0_i32_1 = arith.constant 0 : i32
    return %c0_i32, %c0_i32_0 : i32, i32
  }
  func.func @transform_11(%arg0: i32) -> (i32, i32) {
    %c0_i32 = arith.constant 0 : i32
    %c0_i32_0 = arith.constant 0 : i32
    return %arg0, %c0_i32 : i32, i32
  }
  func.func @transform_12(%arg0: i32) -> (i32, i32) {
    %c0_i32 = arith.constant 0 : i32
    %c0_i32_0 = arith.constant 0 : i32
    return %arg0, %c0_i32 : i32, i32
  }
}

</mosaic_0001>

<sc_bundles>
// kernel: kernel.6.cloned.1.call-start
scs
__scs_entry_jumppad:
0x0: {  	(pc) =	sbr.rel $0x88, $3  }
0x1: {  	(tag) =	ssettag $0x0;
	lr =	simm.s32 $0x1  }
0x2: {  	[smem:$0x3F93] =	sst lr;
	_ =	strace $0xD0000000  }
0x3: {  	_ = 	snop  }
0x4: {  	_ = 	snop  }
0x5: {  	_ = 	snop  }
0x6: {  	_ = 	snop  }
0x7: {  	_ = 	snop  }
__scs_overlays_trampoline_lowered:
0x8: {  	[smem:$0x3FA2] =	sst s0  }
0x9: {  	[smem:$0x3FA3] =	sst s1  }
0xa: {  	[smem:$0x3FA4] =	sst s2  }
0xb: {  	[smem:$0x3FA5] =	sst s3  }
0xc: {  	[smem:$0x3FA6] =	sst s4  }
0xd: {  	[smem:$0x3FA7] =	sst s5  }
0xe: {  	[smem:$0x3FA8] =	sst s6  }
0xf: {  	[smem:$0x3FA9] =	sst s7  }
0x10: {  	[smem:$0x3FAA] =	sst s8  }
0x11: {  	[smem:$0x3FAB] =	sst s9;
	s0 =	simm.s32 @!p0 $0x0  }
0x12: {  	s1 =	sld [smem:$0x3F91];
	s0 =	simm.s32 @p0 $0x1  }
0x13: {  	[smem:$0x3FAC] =	sst s0;
	s0 =	simm.s32 @!p1 $0x0  }
0x14: {  	s2 =	sld [smem:$0x3F90];
	s0 =	simm.s32 @p1 $0x1  }
0x15: {  	[smem:$0x3FAD] =	sst s0;
	s0 =	simm.s32 @!p2 $0x0  }
0x16: {  	s3 =	sld [smem:$0x3FDB];
	s0 =	simm.s32 @p2 $0x1  }
0x17: {  	s4 =	simm.s32 $0x1BF5;
	[smem:$0x3FAF] =	sst s0  }
0x18: {  	s0 =	sld [smem:$0x3F92];
	_ =	swait.ge [sflag:s4], $0x0  }
0x19: {  	s7 =	sld [smem:$0x3F93]  }
0x1a: {  	s8 =	sadd.s32 $0xFFFFE003, lr  }
0x1b: {  	s9 =	sadd.s32 $0xFFFFFEF7, lr;
	s5 =	simm.s32 $0xFFFFFFFF;
	p2 =	slt.u32 s8, $0xFFFFF086  }
0x1c: {  	p1 =	slt.u32 s9, $0xF7A;
	s5 =	simm.s32 @!p2 $0x0  }
0x1d: {  	s5 =	simm.s32 @p1 $0x1;
	p0 =	seq.s32 s7, s2  }
0x1e: {  	s7 =	smul.u32 @!p0 $0xF7A, s2;
	p2 =	seq.s32 @!p0 s5, $0x0  }
0x1f: {  	s9 =	smul.u32 $0xF7A, s1;
	s8 =	simm.s32 @!p0 $0x1BF5;
	p2 =	por !p2, p0  }
0x20: {  	[sflag:s8] =	ssyncset.s32 @!p0 $0xFFFFF086;
	s6 =	sadd.s32 @!p0 s3, s7;
	s7 =	simm.s32 @!p0 $0x108  }
0x21: {  	s3 =	sadd.s32 s3, s9;
	s6 =	sadd.s32 @!p0 $0x88, s6;
	s7 =	simm.s32 @p2 $0x1082  }
0x22: {  	[simem:s7], [sflag:s8] =	dma.local @!p0 [hbm:s6], $0xF7A  }
0x23: {  	s9 =	sor.u32 $0xD0000000, s2;
	s6 =	simm.s32 $0x108;
	_ =	swait.ge @!p0 [sflag:s8], $0x0  }
0x24: {  	s3 =	sadd.s32 $0x88, s3;
	s6 =	simm.s32 @!p1 $0x1082;
	[sflag:s4] =	ssyncset.s32 $0xFFFFF086  }
0x25: {  	[simem:s6], [sflag:s4] =	dma.local [hbm:s3], $0xF7A  }
0x26: {  	[smem:$0x3F93] =	sst s1;
	(tag) =	ssettag s2;
	_ =	strace s9  }
0x27: {  	s1 =	sld [smem:$0x3FA3]  }
0x28: {  	s2 =	sld [smem:$0x3FA4]  }
0x29: {  	s4 =	sld [smem:$0x3FA6]  }
0x2a: {  	p0 =	seq.s32 s5, $0x0;
	s5 =	sld [smem:$0x3FA7]  }
0x2b: {  	s6 =	sld [smem:$0x3FA8]  }
0x2c: {  	s7 =	sld [smem:$0x3FA9]  }
0x2d: {  	s3 =	simm.s32 $0x108;
	s8 =	sld [smem:$0x3FAA]  }
0x2e: {  	s3 =	simm.s32 @!p0 $0x1082;
	s9 =	sld [smem:$0x3FAB]  }
0x2f: {  	lr =	sadd.s32 s0, s3;
	s0 =	sld [smem:$0x3FA2]  }
0x30: {  	s3 =	sld [smem:$0x3FA5]  }
0x31: {  	[smem:$0x3FAE] =	sst s10  }
0x32: {  	s10 =	sld [smem:$0x3FAC];
	_ =	sdelay $0x3  }
0x33: {  	p0 =	seq.s32 s10, $0x1;
	s10 =	sld [smem:$0x3FAE];
	_ =	sdelay $0x3  }
0x34: {  	[smem:$0x3FAE] =	sst s10  }
0x35: {  	s10 =	sld [smem:$0x3FAD];
	_ =	sdelay $0x3  }
0x36: {  	p1 =	seq.s32 s10, $0x1;
	s10 =	sld [smem:$0x3FAE];
	_ =	sdelay $0x3  }
0x37: {  	[smem:$0x3FAE] =	sst s10  }
0x38: {  	s10 =	sld [smem:$0x3FAF]  }
0x39: {  	_ = 	snop;
	(pc) =	sbr.ind lr, $3  }
0x3a: {  	_ = 	snop  }
0x3b: {  	_ = 	snop  }
0x3c: {  	p2 =	seq.s32 s10, $0x1;
	s10 =	sld [smem:$0x3FAE]  }
0x3d: {  	_ =	shalt  }
0x3e: {  	_ =	shalt  }
0x3f: {  	_ =	shalt  }
0x40: {  	_ =	shalt  }
0x41: {  	_ =	shalt  }
0x42: {  	_ =	shalt  }
0x43: {  	_ =	shalt  }
0x44: {  	_ =	shalt  }
0x45: {  	_ =	shalt  }
0x46: {  	_ =	shalt  }
0x47: {  	_ =	shalt  }
0x48: {  	_ =	shalt  }
0x49: {  	_ =	shalt  }
0x4a: {  	_ =	shalt  }
0x4b: {  	_ =	shalt  }
0x4c: {  	_ =	shalt  }
0x4d: {  	_ =	shalt  }
0x4e: {  	_ =	shalt  }
0x4f: {  	_ =	shalt  }
0x50: {  	_ =	shalt  }
0x51: {  	_ =	shalt  }
0x52: {  	_ =	shalt  }
0x53: {  	_ =	shalt  }
0x54: {  	_ =	shalt  }
0x55: {  	_ =	shalt  }
0x56: {  	_ =	shalt  }
0x57: {  	_ =	shalt  }
0x58: {  	_ =	shalt  }
0x59: {  	_ =	shalt  }
0x5a: {  	_ =	shalt  }
0x5b: {  	_ =	shalt  }
0x5c: {  	_ =	shalt  }
0x5d: {  	_ =	shalt  }
0x5e: {  	_ =	shalt  }
0x5f: {  	_ =	shalt  }
0x60: {  	_ =	shalt  }
0x61: {  	_ =	shalt  }
0x62: {  	_ =	shalt  }
0x63: {  	_ =	shalt  }
0x64: {  	_ =	shalt  }
0x65: {  	_ =	shalt  }
0x66: {  	_ =	shalt  }
0x67: {  	_ =	shalt  }
0x68: {  	_ =	shalt  }
0x69: {  	_ =	shalt  }
0x6a: {  	_ =	shalt  }
0x6b: {  	_ =	shalt  }
0x6c: {  	_ =	shalt  }
0x6d: {  	_ =	shalt  }
0x6e: {  	_ =	shalt  }
0x6f: {  	_ =	shalt  }
0x70: {  	_ =	shalt  }
0x71: {  	_ =	shalt  }
0x72: {  	_ =	shalt  }
0x73: {  	_ =	shalt  }
0x74: {  	_ =	shalt  }
0x75: {  	_ =	shalt  }
0x76: {  	_ =	shalt  }
0x77: {  	_ =	shalt  }
0x78: {  	_ =	shalt  }
0x79: {  	_ =	shalt  }
0x7a: {  	_ =	shalt  }
0x7b: {  	_ =	shalt  }
0x7c: {  	_ =	shalt  }
0x7d: {  	_ =	shalt  }
0x7e: {  	_ =	shalt  }
0x7f: {  	_ =	shalt  }
0x80: {  	_ =	shalt  }
0x81: {  	_ =	shalt  }
0x82: {  	_ =	shalt  }
0x83: {  	_ =	shalt  }
0x84: {  	_ =	shalt  }
0x85: {  	_ =	shalt  }
0x86: {  	_ =	shalt  }
0x87: {  	_ =	shalt  }
.Lfunc_end0:
.L_simem_size_0:
called_computation_lowered:
.L_overlay_start_0:
0x88: {  	s2 =	sld [smem:$0x3FD9]  }
0x89: {  	s3 =	sld [smem:$0x3FFE];
	_ =	sdelay $0x1  }
0x8a: {  	s1 =	srdreg.scid  }
0x8b: {  	s0 =	sand.u32 $0x1, s1  }
0x8c: {  	s17 =	sshll.u32 s0, $0xA;
	s2 =	sadd.s32 s3, s2  }
0x8d: {  	s2 =	sadd.s32 s2, s17  }
0x8e: {  	[smem:$0x3FBA] =	sst s2  }
0x8f: {  	_ = 	snop  }
0x90: {  	s2 =	sld [smem:$0x3FC9];
	(tm) =	ssettm $0x1  }
0x91: {  	s18 =	sld [smem:$0x3FFB];
	_ =	sdelay $0x3  }
0x92: {  	_ =	strace s18  }
0x93: {  	s3 =	sld [smem:$0x3FFC];
	_ =	sdelay $0x3  }
0x94: {  	_ =	strace s3  }
0x95: {  	s3 =	sld [smem:$0x3FFD];
	_ =	sdelay $0x3  }
0x96: {  	_ =	strace s3  }
0x97: {  	_ =	strace $0x8FFFFFFF  }
0x98: {  	s19 =	sld [smem:$0x3FDB];
	_ =	sdelay $0x1  }
0x99: {  	s4 =	simm.s32 $_scs_section_size  }
0x9a: {  	s5 =	simm.s32 $_size__tile_overlayer_lowered;
	s6 =	simm.s32 $_tile_overlayer_lowered  }
0x9b: {  	s22 =	simm.s32 $0x1BFF;
	s21 =	sshll.u32 s6, $0x1;
	s3 =	sadd.s32 s4, s19  }
0x9c: {  	s7 =	simm.s32 $0x0;
	s20 =	sshll.u32 s5, $0x1;
	s5 =	sadd.s32 s21, s3  }
0x9d: {  	[timem:s7], [sflag:s22] =	dma.local [hbm:s5], s20  }
0x9e: {  	_ =	swait.ge [sflag:s22], s20  }
0x9f: {  	s4 =	ssub.s32 $0x0, s20;
	[sflag:s22] =	ssyncset.done $0x0  }
0xa0: {  	[sflag:s22] =	ssyncadd.s32 s4;
	_ =	sdelay $0x1  }
0xa1: {  	s23 =	simm.s32 $0x1B8B  }
0xa2: {  	_ =	swait.ge [sflag:s23], $0x1  }
0xa3: {  	[sflag:s23] =	ssyncset.done $0x0  }
0xa4: {  	s25 =	simm.s32 $0x1B8E;
	s24 =	sld [smem:$0x3FFE];
	[sflag:s23] =	ssyncadd.s32 $0xFFFFFFFF  }
0xa5: {  	s26 =	simm.s32 $execute0_lowered;
	[smem:$0x3FD2] =	sst s25  }
0xa6: {  	s5 =	sshll.u32 s26, $0x1;
	_ =	strace $0x80000046;
	[dreg:$0x1] =	wrdreg $0xFFFFFFFF  }
0xa7: {  	s28 =	simm.s32 $_size_execute0_lowered;
	s3 =	sadd.s32 s3, s5;
	[dreg:$0x0] =	wrdreg $0x0  }
0xa8: {  	s5 =	sshll.u32 s28, $0x1;
	[dreg:$0x2] =	wrdreg s3  }
0xa9: {  	[dreg:$0x3] =	wrdreg s5  }
0xaa: {  	[dreg:$0x4] =	wrdreg $0xC0  }
0xab: {  	_ =	task [dreg:s7], $0x5FFFF  }
0xac: {  	[dreg:$0x1] =	wrdreg $0xFFFFFFFF  }
0xad: {  	[dreg:$0x0] =	wrdreg $0x60  }
0xae: {  	[dreg:$0x2] =	wrdreg s2  }
0xaf: {  	[dreg:$0x3] =	wrdreg s24  }
0xb0: {  	[dreg:$0x4] =	wrdreg $0x9  }
0xb1: {  	_ =	task.clear_ibuf [dreg:s7], $0x5FFFF;
	_ =	strace $0x90000046  }
0xb2: {  	s29 =	simm.s32 $0x9;
	_ =	strace $0x80000048  }
0xb3: {  	_ =	swait.ge [sflag:s29], $0x1  }
0xb4: {  	[sflag:s29] =	ssyncadd.s32 $0xFFFFFFFF  }
0xb5: {  	_ =	strace $0x90000048  }
0xb6: {  	_ =	sfence  }
0xb7: {  	s30 =	sld [smem:$0x0];
	_ =	sdelay $0x2  }
0xb8: {  	s31 =	sshll.u32 s1, $0xD;
	s1 =	sshrl.u32 s1, $0x2  }
0xb9: {  	s3 =	sand.u32 $0x4000, s31;
	s1 =	sadd.s32 s1, s30  }
0xba: {  	s0 =	sor.u32 s3, s0;
	s1 =	sshll.u32 s1, $0x11  }
0xbb: {  	s0 =	sor.u32 s1, s0  }
0xbc: {  	s0 =	sadd.s32 $0x8F2B, s0  }
0xbd: {  	[sflag:s0] =	ssyncadd.remote.s32 $0x1  }
0xbe: {  	_ =	sfence.sel $0xFFFF  }
0xbf: {  	[dreg:$0x0] =	wrdreg $0xFFFFFFFF;
	(pc) =	sbr.abs _section_cstart, $3  }
0xc0: {  	[dreg:$0x1] =	wrdreg $0xFFFFFFFF  }
0xc1: {  	_ =	task.clear_ibuf [dreg:s7], $0x2FFFF;
	_ =	strace $0x9FFFFFFF  }
0xc2: {  	(tm) =	ssettm $0x7FFFFFFF  }
0xc3: {  	_ =	shalt  }
tec
execute0_lowered:
.L_overlay_start_1:
0x0: {  	(tag) =	ssettag $0x1  }
0x1: {  	s1 =	rddreg [dreg:$0x0]  }
0x2: {  	s11 =	rddreg [dreg:$0x1];
	s3 =	simm.s32 $0x0;
	s4 =	srdreg.scid  }
0x3: {  	s0 =	stileid.u32;
	s17 =	simm.s32 $0xA0;
	s18 =	simm.s32 $0x50  }
0x4: {  	s20 =	simm.s32 $0x5140;
	s21 =	simm.s32 $0xA140;
	s22 =	simm.s32 $0xAB40  }
0x5: {  	s23 =	simm.s32 $0x3;
	s24 =	simm.s32 $0x0;
	[smem:$0x7FF] =	sst s3  }
0x6: {  	s12 =	sand.u32 $0x1, s4;
	s5 =	sshll.u32 s0, $0x1;
	s6 =	sadd.s32 $0x155600, s11  }
0x7: {  	s4 =	sadd.s32 $0x17E00, s11;
	s8 =	sadd.s32 $0x4200, s11;
	s9 =	sadd.s32 $0x637600, s11  }
0x8: {  	s13 =	smul.u32 $0x4E20, s0;
	s10 =	sadd.s32 $0xB9200, s11;
	_ =	strace $0x80000047  }
0x9: {  	s7 =	sor.u32 s12, s5;
	s14 =	ssub.s32 $0x2, s12;
	s15 =	smul.u32 $0x2710, s12  }
0xa: {  	s5 =	sadd.s32 $0xE000, s11;
	s7 =	smul.u32 $0x2710, s7;
	s31 =	sshrl.u32 s14, $0x1  }
0xb: {  	s11 =	sadd.s32 $0x1CE00, s11;
	s14 =	ssub.s32 s14, s31;
	s15 =	sadd.s32 s15, s13  }
0xc: {  	s16 =	sshrl.u32 s7, $0x3;
	s14 =	smax.u32 s14, $0x1;
	s15 =	sadd.s32 $0x50, s15  }
0xd: {  	s12 =	sadd.s32 s5, s16;
	s13 =	sadd.s32 s8, s16;
	s16 =	simm.s32 $0x5  }
.LBB2_1:
0xe: {  	[tilespmem:s3], [sflag:$0x5] =	stream.linear.gather [hbm4b:s12+s3], $0x50, $0x38;
	[tilespmem:$0xB540] =	vst v63  }
0xf: {  	_ =	swait.ge [sflag:s16], $0x50  }
0x10: {  	[sflag:s16] =	ssyncset.done $0x0  }
0x11: {  	[sflag:s16] =	ssyncadd.s32 $0xFFFFFFB0  }
0x12: {  	[tilespmem:s17], [sflag:$0x5] =	stream.linear.gather [hbm4b:s13+s3], $0x50, $0x38;
	[tilespmem:$0xB540] =	vst v63  }
0x13: {  	_ =	swait.ge [sflag:s16], $0x50  }
0x14: {  	[sflag:s16] =	ssyncset.done $0x0  }
0x15: {  	s0 =	simm.s32 $0x140;
	[sflag:s16] =	ssyncadd.s32 $0xFFFFFFB0  }
0x16: {  	[tilespmem:s0], [sflag:$0x1] =	stream.indirect.gather [hbm4b:s1+s18], $0x80, s3, s18, $0xb8;
	[tilespmem:$0xB540] =	vst v63  }
0x17: {  	_ = 	snop  }
0x18: {  	[tilespmem:s20], [sflag:$0x1] =	stream.indirect.gather [hbm4b:s1+s18], $0x80, s17, s18, $0xb8;
	[tilespmem:$0xB540] =	vst v63  }
0x19: {  	_ = 	snop  }
0x1a: {  	[tilespmem:s21], [sflag:$0x1] =	stream.indirect.gather [hbm4b:s4+s18], $0x10, s3, s18, $0xb8;
	[tilespmem:$0xB540] =	vst v63  }
0x1b: {  	s25 =	simm.s32 $0x0;
	s26 =	simm.s32 $0x0  }
0x1c: {  	[tilespmem:s22], [sflag:$0x1] =	stream.indirect.gather [hbm4b:s4+s18], $0x10, s17, s18, $0xb8;
	[tilespmem:$0xB540] =	vst v63  }
.LBB2_2:
0x1d: {  	s28 =	sand.u32 $0x1, s26  }
0x1e: {  	p0 =	seq.s32 s25, $0x0;
	s29 =	sxor.u32 $0x1, s28  }
0x1f: {  	s30 =	sadd.s32 @!p0 $0x3, s29  }
0x20: {  	_ =	swait.ge @!p0 [sflag:s30], $0x2800  }
0x21: {  	[sflag:s30] =	ssyncset.done @!p0 $0x0  }
0x22: {  	[sflag:s30] =	ssyncadd.s32 @!p0 $0xFFFFD800  }
0x23: {  	_ =	swait.ge @!p0 [sflag:s30], $0x2800  }
0x24: {  	[sflag:s30] =	ssyncset.done @!p0 $0x0  }
0x25: {  	[sflag:s30] =	ssyncadd.s32 @!p0 $0xFFFFD800  }
0x26: {  	_ =	swait.ge @!p0 [sflag:s30], $0x500  }
0x27: {  	[sflag:s30] =	ssyncset.done @!p0 $0x0  }
0x28: {  	[sflag:s30] =	ssyncadd.s32 @!p0 $0xFFFFFB00  }
0x29: {  	_ =	swait.ge @!p0 [sflag:s30], $0x500  }
0x2a: {  	p1 =	seq.s32 @!p0 s25, $0x26C0;
	[sflag:s30] =	ssyncset.done @!p0 $0x0  }
0x2b: {  	p1 =	por p0, !p1;
	[sflag:s30] =	ssyncadd.s32 @!p0 $0xFFFFFB00;
	s30 =	simm.s32 @!p0 $0x26C0  }
0x2c: {  	s30 =	sadd.s32 @p1 s25, s15  }
0x2d: {  	s31 =	smul.u32 @p1 $0x50, s29;
	s30 =	sshrl.u32 @p1 s30, $0x3  }
0x2e: {  	s0 =	sadd.s32 @p1 s5, s30  }
0x2f: {  	[tilespmem:s31], [sflag:$0x5] =	stream.linear.gather @p1 [hbm4b:s0+s3], $0x50, $0x38;
	[tilespmem:$0xB540] =	vst v63  }
0x30: {  	_ =	swait.ge @p1 [sflag:s16], $0x50  }
0x31: {  	[sflag:s16] =	ssyncset.done @p1 $0x0  }
0x32: {  	s30 =	sadd.s32 @p1 s8, s30;
	s0 =	sadd.s32 @p1 $0xA0, s31;
	[sflag:s16] =	ssyncadd.s32 @p1 $0xFFFFFFB0  }
0x33: {  	[tilespmem:s0], [sflag:$0x5] =	stream.linear.gather @p1 [hbm4b:s30+s3], $0x50, $0x38;
	[tilespmem:$0xB540] =	vst v63  }
0x34: {  	s30 =	smul.u32 @p1 $0x2800, s29;
	_ =	swait.ge @p1 [sflag:s16], $0x50  }
0x35: {  	[sflag:s16] =	ssyncset.done @p1 $0x0  }
0x36: {  	s19 =	sadd.s32 @p1 $0x1, s29;
	s2 =	sor.u32 @p1 $0x140, s30;
	[sflag:s16] =	ssyncadd.s32 @p1 $0xFFFFFFB0  }
0x37: {  	[tilespmem:s2], [sflag:s19] =	stream.indirect.gather @p1 [hbm4b:s1+s18], $0x80, s31, s18, $0xb8;
	[tilespmem:$0xB540] =	vst v63  }
0x38: {  	s29 =	smul.u32 @p1 $0x500, s29;
	s2 =	sadd.s32 @p1 $0x5140, s30  }
0x39: {  	[tilespmem:s2], [sflag:s19] =	stream.indirect.gather @p1 [hbm4b:s1+s18], $0x80, s0, s18, $0xb8;
	[tilespmem:$0xB540] =	vst v63  }
0x3a: {  	s2 =	sadd.s32 @p1 $0xA140, s29  }
0x3b: {  	[tilespmem:s2], [sflag:s19] =	stream.indirect.gather @p1 [hbm4b:s4+s18], $0x10, s31, s18, $0xb8;
	[tilespmem:$0xB540] =	vst v63  }
0x3c: {  	s2 =	sadd.s32 @p1 $0xAB40, s29;
	s29 =	sadd.s32 $0x1, s28  }
0x3d: {  	[tilespmem:s2], [sflag:s19] =	stream.indirect.gather @p1 [hbm4b:s4+s18], $0x10, s0, s18, $0xb8;
	[tilespmem:$0xB540] =	vst v63  }
0x3e: {  	_ =	swait.ge [sflag:s29], $0x2800  }
0x3f: {  	[sflag:s29] =	ssyncset.done $0x0  }
0x40: {  	[sflag:s29] =	ssyncadd.s32 $0xFFFFD800  }
0x41: {  	_ =	swait.ge [sflag:s29], $0x2800  }
0x42: {  	[sflag:s29] =	ssyncset.done $0x0  }
0x43: {  	[sflag:s29] =	ssyncadd.s32 $0xFFFFD800  }
0x44: {  	_ =	swait.ge [sflag:s29], $0x500  }
0x45: {  	s30 =	smov.u32 @p1 s25;
	[sflag:s29] =	ssyncset.done $0x0  }
0x46: {  	s25 =	sadd.s32 $0x50, s25;
	s2 =	smul.u32 $0x2800, s28;
	[sflag:s29] =	ssyncadd.s32 $0xFFFFFB00  }
0x47: {  	p0 =	sne.s32 s25, $0x2710;
	s19 =	sadd.s32 s7, s30;
	_ =	swait.ge [sflag:s29], $0x500  }
0x48: {  	s0 =	sshll.u32 s19, $0x4;
	s30 =	sor.u32 $0x140, s2;
	[sflag:s29] =	ssyncset.done $0x0  }
0x49: {  	s31 =	sadd.s32 s6, s0;
	[sflag:s29] =	ssyncadd.s32 $0xFFFFFB00;
	s29 =	sadd.s32 $0x3, s28  }
0x4a: {  	[hbm4b:s31+s3] =	stream.linear.scatter [tilespmem:s30], [sflag:s29], $0x2800, $0x38;
	[tilespmem:$0xB540] =	vst v63  }
0x4b: {  	s2 =	sadd.s32 $0x5140, s2;
	s0 =	sadd.s32 s9, s0;
	s28 =	smul.u32 $0x500, s28  }
0x4c: {  	[hbm4b:s0+s3] =	stream.linear.scatter [tilespmem:s2], [sflag:s29], $0x2800, $0x38;
	[tilespmem:$0xB540] =	vst v63  }
.Ltmp0:
0x4d: {  	s0 =	sshll.u32 s19, $0x1;
	(pc) =	sbr.rel @p0 .LBB2_2-.Ltmp0, $4  }
0x4e: {  	s30 =	sadd.s32 $0xA140, s28;
	s19 =	sadd.s32 s10, s0  }
0x4f: {  	[hbm4b:s19+s3] =	stream.linear.scatter [tilespmem:s30], [sflag:s29], $0x500, $0x38;
	[tilespmem:$0xB540] =	vst v63  }
0x50: {  	s26 =	sadd.s32 $0x1, s26;
	s31 =	sadd.s32 $0xAB40, s28;
	s0 =	sadd.s32 s11, s0  }
0x51: {  	[hbm4b:s0+s3] =	stream.linear.scatter [tilespmem:s31], [sflag:s29], $0x500, $0x38;
	[tilespmem:$0xB540] =	vst v63  }
0x52: {  	_ =	swait.ge [sflag:s23], $0x2800  }
0x53: {  	[sflag:s23] =	ssyncset.done $0x0  }
0x54: {  	[sflag:s23] =	ssyncadd.s32 $0xFFFFD800  }
0x55: {  	_ =	swait.ge [sflag:s23], $0x2800  }
0x56: {  	[sflag:s23] =	ssyncset.done $0x0  }
0x57: {  	s24 =	sadd.s32 $0x1, s24;
	[sflag:s23] =	ssyncadd.s32 $0xFFFFD800  }
0x58: {  	p0 =	sne.s32 s24, s14;
	_ =	swait.ge [sflag:s23], $0x500  }
.Ltmp1:
0x59: {  	[sflag:s23] =	ssyncset.done $0x0;
	(pc) =	sbr.rel @p0 .LBB2_1-.Ltmp1, $4  }
0x5a: {  	[sflag:s23] =	ssyncadd.s32 $0xFFFFFB00  }
0x5b: {  	_ =	swait.ge [sflag:s23], $0x500  }
0x5c: {  	[sflag:s23] =	ssyncset.done $0x0  }
0x5d: {  	[sflag:s23] =	ssyncadd.s32 $0xFFFFFB00  }
0x5e: {  	_ =	sfence.sel $0x180000  }
0x5f: {  	[bflag:$0x0] =	sbarrier.arrive $0xFFFF  }
0x60: {  	_ =	strace $0x90000047  }
0x61: {  	s0 =	stileid.u32;
	[bflag:$0x2] =	sbarrier.arrive $0xFFFF  }
0x62: {  	p0 =	sne.s32 s0, $0x0;
	s0 =	rddreg [dreg:$0x2]  }
0x63: {  	s0 =	sadd.s32 @!p0 $0x100000, s0  }
0x64: {  	[sflag:s0] =	ssyncadd.tile.s32 @!p0 $0x1;
	_ =	shalt  }
.Lfunc_end2:
_tile_overlayer_lowered:
.L_overlay_start_2:
0x65: {  	(tag) =	ssettag $0x2  }
0x66: {  	s0 =	rddreg [dreg:$0x0];
	s2 =	stileid.u32  }
0x67: {  	s1 =	rddreg [dreg:$0x1];
	p0 =	sne.s32 s2, $0x0  }
0x68: {  	s3 =	rddreg [dreg:$0x2];
	[bflag:$0x3] =	sbarrier.arrive $0xFFFF;
	s2 =	simm.s32 @!p0 $0x1C05  }
0x69: {  	[timem:s3], [sflag:s2] =	dma.local @!p0 [hbm:s0], s1  }
0x6a: {  	s0 =	simm.s32 @!p0 $0x5  }
0x6b: {  	_ =	swait.ge @!p0 [sflag:s0], s1  }
0x6c: {  	s1 =	ssub.s32 @!p0 $0x0, s1;
	[sflag:s0] =	ssyncset.done @!p0 $0x0  }
0x6d: {  	[sflag:s0] =	ssyncadd.s32 @!p0 s1  }
0x6e: {  	[bflag:$0x3] =	sbarrier.arrive $0xFFFF  }
0x6f: {  	_ =	shalt  }

// kernel: kernel.9.cloned.1.call-start
scs
__scs_entry_jumppad:
0x0: {  	(pc) =	sbr.rel $0x88, $3  }
0x1: {  	(tag) =	ssettag $0x0;
	lr =	simm.s32 $0x1  }
0x2: {  	[smem:$0x3F93] =	sst lr;
	_ =	strace $0xD0000000  }
0x3: {  	_ = 	snop  }
0x4: {  	_ = 	snop  }
0x5: {  	_ = 	snop  }
0x6: {  	_ = 	snop  }
0x7: {  	_ = 	snop  }
__scs_overlays_trampoline_lowered:
0x8: {  	[smem:$0x3FA2] =	sst s0  }
0x9: {  	[smem:$0x3FA3] =	sst s1  }
0xa: {  	[smem:$0x3FA4] =	sst s2  }
0xb: {  	[smem:$0x3FA5] =	sst s3  }
0xc: {  	[smem:$0x3FA6] =	sst s4  }
0xd: {  	[smem:$0x3FA7] =	sst s5  }
0xe: {  	[smem:$0x3FA8] =	sst s6  }
0xf: {  	[smem:$0x3FA9] =	sst s7  }
0x10: {  	[smem:$0x3FAA] =	sst s8  }
0x11: {  	[smem:$0x3FAB] =	sst s9;
	s0 =	simm.s32 @!p0 $0x0  }
0x12: {  	s1 =	sld [smem:$0x3F91];
	s0 =	simm.s32 @p0 $0x1  }
0x13: {  	[smem:$0x3FAC] =	sst s0;
	s0 =	simm.s32 @!p1 $0x0  }
0x14: {  	s2 =	sld [smem:$0x3F90];
	s0 =	simm.s32 @p1 $0x1  }
0x15: {  	[smem:$0x3FAD] =	sst s0;
	s0 =	simm.s32 @!p2 $0x0  }
0x16: {  	s3 =	sld [smem:$0x3FDB];
	s0 =	simm.s32 @p2 $0x1  }
0x17: {  	s4 =	simm.s32 $0x1BF5;
	[smem:$0x3FAF] =	sst s0  }
0x18: {  	s0 =	sld [smem:$0x3F92];
	_ =	swait.ge [sflag:s4], $0x0  }
0x19: {  	s7 =	sld [smem:$0x3F93]  }
0x1a: {  	s8 =	sadd.s32 $0xFFFFE003, lr  }
0x1b: {  	s9 =	sadd.s32 $0xFFFFFEF7, lr;
	s5 =	simm.s32 $0xFFFFFFFF;
	p2 =	slt.u32 s8, $0xFFFFF086  }
0x1c: {  	p1 =	slt.u32 s9, $0xF7A;
	s5 =	simm.s32 @!p2 $0x0  }
0x1d: {  	s5 =	simm.s32 @p1 $0x1;
	p0 =	seq.s32 s7, s2  }
0x1e: {  	s7 =	smul.u32 @!p0 $0xF7A, s2;
	p2 =	seq.s32 @!p0 s5, $0x0  }
0x1f: {  	s9 =	smul.u32 $0xF7A, s1;
	s8 =	simm.s32 @!p0 $0x1BF5;
	p2 =	por !p2, p0  }
0x20: {  	[sflag:s8] =	ssyncset.s32 @!p0 $0xFFFFF086;
	s6 =	sadd.s32 @!p0 s3, s7;
	s7 =	simm.s32 @!p0 $0x108  }
0x21: {  	s3 =	sadd.s32 s3, s9;
	s6 =	sadd.s32 @!p0 $0x88, s6;
	s7 =	simm.s32 @p2 $0x1082  }
0x22: {  	[simem:s7], [sflag:s8] =	dma.local @!p0 [hbm:s6], $0xF7A  }
0x23: {  	s9 =	sor.u32 $0xD0000000, s2;
	s6 =	simm.s32 $0x108;
	_ =	swait.ge @!p0 [sflag:s8], $0x0  }
0x24: {  	s3 =	sadd.s32 $0x88, s3;
	s6 =	simm.s32 @!p1 $0x1082;
	[sflag:s4] =	ssyncset.s32 $0xFFFFF086  }
0x25: {  	[simem:s6], [sflag:s4] =	dma.local [hbm:s3], $0xF7A  }
0x26: {  	[smem:$0x3F93] =	sst s1;
	(tag) =	ssettag s2;
	_ =	strace s9  }
0x27: {  	s1 =	sld [smem:$0x3FA3]  }
0x28: {  	s2 =	sld [smem:$0x3FA4]  }
0x29: {  	s4 =	sld [smem:$0x3FA6]  }
0x2a: {  	p0 =	seq.s32 s5, $0x0;
	s5 =	sld [smem:$0x3FA7]  }
0x2b: {  	s6 =	sld [smem:$0x3FA8]  }
0x2c: {  	s7 =	sld [smem:$0x3FA9]  }
0x2d: {  	s3 =	simm.s32 $0x108;
	s8 =	sld [smem:$0x3FAA]  }
0x2e: {  	s3 =	simm.s32 @!p0 $0x1082;
	s9 =	sld [smem:$0x3FAB]  }
0x2f: {  	lr =	sadd.s32 s0, s3;
	s0 =	sld [smem:$0x3FA2]  }
0x30: {  	s3 =	sld [smem:$0x3FA5]  }
0x31: {  	[smem:$0x3FAE] =	sst s10  }
0x32: {  	s10 =	sld [smem:$0x3FAC];
	_ =	sdelay $0x3  }
0x33: {  	p0 =	seq.s32 s10, $0x1;
	s10 =	sld [smem:$0x3FAE];
	_ =	sdelay $0x3  }
0x34: {  	[smem:$0x3FAE] =	sst s10  }
0x35: {  	s10 =	sld [smem:$0x3FAD];
	_ =	sdelay $0x3  }
0x36: {  	p1 =	seq.s32 s10, $0x1;
	s10 =	sld [smem:$0x3FAE];
	_ =	sdelay $0x3  }
0x37: {  	[smem:$0x3FAE] =	sst s10  }
0x38: {  	s10 =	sld [smem:$0x3FAF]  }
0x39: {  	_ = 	snop;
	(pc) =	sbr.ind lr, $3  }
0x3a: {  	_ = 	snop  }
0x3b: {  	_ = 	snop  }
0x3c: {  	p2 =	seq.s32 s10, $0x1;
	s10 =	sld [smem:$0x3FAE]  }
0x3d: {  	_ =	shalt  }
0x3e: {  	_ =	shalt  }
0x3f: {  	_ =	shalt  }
0x40: {  	_ =	shalt  }
0x41: {  	_ =	shalt  }
0x42: {  	_ =	shalt  }
0x43: {  	_ =	shalt  }
0x44: {  	_ =	shalt  }
0x45: {  	_ =	shalt  }
0x46: {  	_ =	shalt  }
0x47: {  	_ =	shalt  }
0x48: {  	_ =	shalt  }
0x49: {  	_ =	shalt  }
0x4a: {  	_ =	shalt  }
0x4b: {  	_ =	shalt  }
0x4c: {  	_ =	shalt  }
0x4d: {  	_ =	shalt  }
0x4e: {  	_ =	shalt  }
0x4f: {  	_ =	shalt  }
0x50: {  	_ =	shalt  }
0x51: {  	_ =	shalt  }
0x52: {  	_ =	shalt  }
0x53: {  	_ =	shalt  }
0x54: {  	_ =	shalt  }
0x55: {  	_ =	shalt  }
0x56: {  	_ =	shalt  }
0x57: {  	_ =	shalt  }
0x58: {  	_ =	shalt  }
0x59: {  	_ =	shalt  }
0x5a: {  	_ =	shalt  }
0x5b: {  	_ =	shalt  }
0x5c: {  	_ =	shalt  }
0x5d: {  	_ =	shalt  }
0x5e: {  	_ =	shalt  }
0x5f: {  	_ =	shalt  }
0x60: {  	_ =	shalt  }
0x61: {  	_ =	shalt  }
0x62: {  	_ =	shalt  }
0x63: {  	_ =	shalt  }
0x64: {  	_ =	shalt  }
0x65: {  	_ =	shalt  }
0x66: {  	_ =	shalt  }
0x67: {  	_ =	shalt  }
0x68: {  	_ =	shalt  }
0x69: {  	_ =	shalt  }
0x6a: {  	_ =	shalt  }
0x6b: {  	_ =	shalt  }
0x6c: {  	_ =	shalt  }
0x6d: {  	_ =	shalt  }
0x6e: {  	_ =	shalt  }
0x6f: {  	_ =	shalt  }
0x70: {  	_ =	shalt  }
0x71: {  	_ =	shalt  }
0x72: {  	_ =	shalt  }
0x73: {  	_ =	shalt  }
0x74: {  	_ =	shalt  }
0x75: {  	_ =	shalt  }
0x76: {  	_ =	shalt  }
0x77: {  	_ =	shalt  }
0x78: {  	_ =	shalt  }
0x79: {  	_ =	shalt  }
0x7a: {  	_ =	shalt  }
0x7b: {  	_ =	shalt  }
0x7c: {  	_ =	shalt  }
0x7d: {  	_ =	shalt  }
0x7e: {  	_ =	shalt  }
0x7f: {  	_ =	shalt  }
0x80: {  	_ =	shalt  }
0x81: {  	_ =	shalt  }
0x82: {  	_ =	shalt  }
0x83: {  	_ =	shalt  }
0x84: {  	_ =	shalt  }
0x85: {  	_ =	shalt  }
0x86: {  	_ =	shalt  }
0x87: {  	_ =	shalt  }
.Lfunc_end0:
.L_simem_size_0:
called_computation.1_lowered:
.L_overlay_start_0:
0x88: {  	s2 =	sld [smem:$0x3FD9]  }
0x89: {  	s3 =	sld [smem:$0x3FFE];
	_ =	sdelay $0x1  }
0x8a: {  	s1 =	srdreg.scid  }
0x8b: {  	s0 =	sand.u32 $0x1, s1  }
0x8c: {  	s16 =	sshll.u32 s0, $0xA;
	s2 =	sadd.s32 s3, s2  }
0x8d: {  	s2 =	sadd.s32 s2, s16  }
0x8e: {  	[smem:$0x3FBA] =	sst s2  }
0x8f: {  	_ = 	snop  }
0x90: {  	(tm) =	ssettm $0x1  }
0x91: {  	s17 =	sld [smem:$0x3FFB];
	_ =	sdelay $0x3  }
0x92: {  	_ =	strace s17  }
0x93: {  	s2 =	sld [smem:$0x3FFC];
	_ =	sdelay $0x3  }
0x94: {  	_ =	strace s2  }
0x95: {  	s2 =	sld [smem:$0x3FFD];
	_ =	sdelay $0x3  }
0x96: {  	_ =	strace s2  }
0x97: {  	_ =	strace $0x8FFFFFFF  }
0x98: {  	s18 =	sld [smem:$0x3FDB];
	_ =	sdelay $0x1  }
0x99: {  	s19 =	simm.s32 $_scs_section_size  }
0x9a: {  	s4 =	simm.s32 $_size__tile_overlayer_lowered;
	s5 =	simm.s32 $_tile_overlayer_lowered  }
0x9b: {  	s22 =	simm.s32 $0x1BFF;
	s21 =	sshll.u32 s5, $0x1;
	s2 =	sadd.s32 s19, s18  }
0x9c: {  	s6 =	simm.s32 $0x0;
	s20 =	sshll.u32 s4, $0x1;
	s4 =	sadd.s32 s21, s2  }
0x9d: {  	[timem:s6], [sflag:s22] =	dma.local [hbm:s4], s20  }
0x9e: {  	_ =	swait.ge [sflag:s22], s20  }
0x9f: {  	s3 =	ssub.s32 $0x0, s20;
	[sflag:s22] =	ssyncset.done $0x0  }
0xa0: {  	[sflag:s22] =	ssyncadd.s32 s3;
	_ =	sdelay $0x1  }
0xa1: {  	s23 =	simm.s32 $0x1B8B  }
0xa2: {  	_ =	swait.ge [sflag:s23], $0x1  }
0xa3: {  	[sflag:s23] =	ssyncset.done $0x0  }
0xa4: {  	s25 =	simm.s32 $0x1B8E;
	s24 =	sld [smem:$0x3FFE];
	[sflag:s23] =	ssyncadd.s32 $0xFFFFFFFF  }
0xa5: {  	s26 =	simm.s32 $execute0_lowered;
	[smem:$0x3FD2] =	sst s25  }
0xa6: {  	s4 =	sshll.u32 s26, $0x1;
	_ =	strace $0x80000049;
	[dreg:$0x1] =	wrdreg $0xFFFFFFFF  }
0xa7: {  	s28 =	simm.s32 $_size_execute0_lowered;
	s2 =	sadd.s32 s2, s4;
	[dreg:$0x0] =	wrdreg $0x0  }
0xa8: {  	s4 =	sshll.u32 s28, $0x1;
	[dreg:$0x2] =	wrdreg s2  }
0xa9: {  	[dreg:$0x3] =	wrdreg s4  }
0xaa: {  	[dreg:$0x4] =	wrdreg $0xC0  }
0xab: {  	_ =	task [dreg:s6], $0x5FFFF  }
0xac: {  	[dreg:$0x1] =	wrdreg $0xFFFFFFFF  }
0xad: {  	[dreg:$0x0] =	wrdreg $0x60  }
0xae: {  	[dreg:$0x2] =	wrdreg s24  }
0xaf: {  	[dreg:$0x3] =	wrdreg $0x5AA00  }
0xb0: {  	[dreg:$0x4] =	wrdreg $0x193200  }
0xb1: {  	[dreg:$0x5] =	wrdreg $0x9  }
0xb2: {  	_ =	task.clear_ibuf [dreg:s6], $0x6FFFF;
	_ =	strace $0x90000049  }
0xb3: {  	s29 =	simm.s32 $0x9;
	_ =	strace $0x8000004B  }
0xb4: {  	_ =	swait.ge [sflag:s29], $0x1  }
0xb5: {  	[sflag:s29] =	ssyncadd.s32 $0xFFFFFFFF  }
0xb6: {  	_ =	strace $0x9000004B  }
0xb7: {  	_ =	sfence  }
0xb8: {  	s30 =	sld [smem:$0x0];
	_ =	sdelay $0x2  }
0xb9: {  	s31 =	sshll.u32 s1, $0xD;
	s1 =	sshrl.u32 s1, $0x2  }
0xba: {  	s3 =	sand.u32 $0x4000, s31;
	s1 =	sadd.s32 s1, s30  }
0xbb: {  	s0 =	sor.u32 s3, s0;
	s1 =	sshll.u32 s1, $0x11  }
0xbc: {  	s0 =	sor.u32 s1, s0  }
0xbd: {  	s0 =	sadd.s32 $0x8F2B, s0  }
0xbe: {  	[sflag:s0] =	ssyncadd.remote.s32 $0x1  }
0xbf: {  	_ =	sfence.sel $0xFFFF  }
0xc0: {  	[dreg:$0x0] =	wrdreg $0xFFFFFFFF;
	(pc) =	sbr.abs _section_cstart, $3  }
0xc1: {  	[dreg:$0x1] =	wrdreg $0xFFFFFFFF  }
0xc2: {  	_ =	task.clear_ibuf [dreg:s6], $0x2FFFF;
	_ =	strace $0x9FFFFFFF  }
0xc3: {  	(tm) =	ssettm $0x7FFFFFFF  }
tec
execute0_lowered:
.L_overlay_start_1:
0x0: {  	(tag) =	ssettag $0x1  }
0x1: {  	s0 =	rddreg [dreg:$0x0]  }
0x2: {  	s2 =	rddreg [dreg:$0x1]  }
0x3: {  	s3 =	rddreg [dreg:$0x2]  }
0x4: {  	s4 =	simm.s32 $0x0;
	s19 =	stileid.u32;
	s6 =	srdreg.scid  }
0x5: {  	s29 =	simm.s32 $0x4;
	s30 =	simm.s32 $0x1;
	s1 =	smul.u32 $0x13880, s19  }
0x6: {  	s31 =	simm.s32 $0x3;
	[smem:$0x7FF] =	sst s4;
	s5 =	smul.u32 $0x2710, s19  }
0x7: {  	s7 =	sadd.s32 $0x19BF600, s0;
	s6 =	sand.u32 $0x1, s6;
	s8 =	smul.u32 $0x271, s19  }
0x8: {  	s9 =	sadd.s32 $0x17E00, s0;
	s12 =	sadd.s32 $0xE000, s0;
	s13 =	sshll.u32 s19, $0x1  }
0x9: {  	_ =	strace $0x8000004A;
	s11 =	smul.u32 $0x2710, s6;
	s13 =	sor.u32 s6, s13  }
0xa: {  	s6 =	ssub.s32 $0x2, s6;
	s10 =	sshrl.u32 s1, $0x3;
	s16 =	smul.u32 $0x2710, s13  }
0xb: {  	s14 =	sshrl.u32 s5, $0x3;
	s17 =	smul.u32 $0x27100, s13;
	s18 =	sshrl.u32 s6, $0x1  }
0xc: {  	s13 =	smul.u32 $0x4E20, s13;
	s1 =	sadd.s32 s1, s2;
	s10 =	sadd.s32 s10, s0  }
0xd: {  	s8 =	sadd.s32 s8, s11;
	s14 =	sadd.s32 s14, s0;
	s6 =	ssub.s32 s6, s18  }
0xe: {  	[dreg:$0x7] =	wrdreg s1;
	s15 =	sshll.u32 s8, $0x4;
	s26 =	sadd.s32 s7, s17  }
0xf: {  	s8 =	sshll.u32 s8, $0x1;
	s28 =	sadd.s32 s9, s13;
	[dreg:$0x5] =	wrdreg s26  }
0x10: {  	s25 =	sshrl.u32 s16, $0x3;
	s13 =	sadd.s32 s5, s3;
	[dreg:$0x6] =	wrdreg s28  }
0x11: {  	s17 =	smul.u32 $0x4E20, s19;
	s18 =	sadd.s32 $0x4200, s14;
	[dreg:$0x9] =	wrdreg s13  }
0x12: {  	s6 =	smax.u32 s6, $0x1;
	s15 =	sadd.s32 s15, s0;
	[dreg:$0xa] =	wrdreg s18  }
0x13: {  	s0 =	sadd.s32 s8, s0;
	s8 =	sadd.s32 s12, s25;
	[dreg:$0xd] =	wrdreg s6  }
0x14: {  	s6 =	simm.s32 $0xA0;
	[dreg:$0x4] =	wrdreg s8;
	s8 =	sadd.s32 $0xB4200, s10  }
0x15: {  	s10 =	sshll.u32 s19, $0x6;
	s20 =	sadd.s32 $0xE5200, s15;
	[dreg:$0x8] =	wrdreg s8  }
0x16: {  	s19 =	sadd.s32 $0x50, s16;
	s0 =	sadd.s32 $0xDB400, s0;
	[dreg:$0xb] =	wrdreg s20  }
0x17: {  	s1 =	sadd.s32 s11, s17;
	[dreg:$0xc] =	wrdreg s0;
	s21 =	sshrl.u32 s19, $0x3  }
0x18: {  	s22 =	sadd.s32 $0xA0, s1;
	s23 =	sshll.u32 s19, $0x4;
	s0 =	sadd.s32 s12, s21  }
0x19: {  	s5 =	sshll.u32 s19, $0x1;
	s1 =	sadd.s32 s7, s23;
	[dreg:$0xe] =	wrdreg s0  }
0x1a: {  	s10 =	sor.u32 $0x1C05, s10;
	s25 =	sadd.s32 s9, s5;
	[dreg:$0xf] =	wrdreg s1  }
0x1b: {  	s24 =	sshrl.u32 s22, $0x4;
	s23 =	simm.s32 $0x50A0;
	[dreg:$0x10] =	wrdreg s25  }
0x1c: {  	s26 =	sshll.u32 s24, $0x5;
	s28 =	sshll.u32 s24, $0x8;
	s0 =	sshrl.u32 s22, $0x3  }
0x1d: {  	s24 =	simm.s32 $0x5;
	s25 =	simm.s32 $0x50;
	s19 =	sadd.s32 s26, s9  }
0x1e: {  	s20 =	sadd.s32 s28, s7;
	s21 =	sadd.s32 s0, s12;
	s0 =	simm.s32 $0x0  }
.LBB2_1:
0x1f: {  	s1 =	rddreg [dreg:$0x4]  }
0x20: {  	s17 =	rddreg [dreg:$0x5]  }
0x21: {  	s18 =	rddreg [dreg:$0x6]  }
0x22: {  	[tilespmem:s4], [sflag:$0x1] =	stream.linear.gather [hbm4b:s1+s4], $0x50, $0x38;
	[tilespmem:$0x1BA30] =	vst v63  }
0x23: {  	s22 =	rddreg [dreg:$0x7]  }
0x24: {  	[tilespmem:s6], [sflag:$0x1] =	stream.linear.gather [hbm4b:s17+s4], $0x2800, $0x38;
	[tilespmem:$0x1BA30] =	vst v63  }
0x25: {  	s5 =	rddreg [dreg:$0x8];
	s1 =	sshrl.u32 s22, $0x3  }
0x26: {  	[tilespmem:s23], [sflag:$0x1] =	stream.linear.gather [hbm4b:s18+s4], $0x500, $0x38;
	[tilespmem:$0x1BA30] =	vst v63  }
0x27: {  	[spmem:s1], [sflag:s10] =	dma.local [hbm:s5], $0x2710  }
0x28: {  	_ =	swait.ge [sflag:s24], $0x2710  }
0x29: {  	[sflag:s24] =	ssyncset.done $0x0;
	s26 =	rddreg [dreg:$0x9]  }
0x2a: {  	s7 =	rddreg [dreg:$0xa];
	[sflag:s24] =	ssyncadd.s32 $0xFFFFD8F0;
	s26 =	sshrl.u32 s26, $0x3  }
0x2b: {  	[spmem:s26], [sflag:s10] =	dma.local [hbm:s7], $0x4E2  }
0x2c: {  	_ =	swait.ge [sflag:s24], $0x4E2  }
0x2d: {  	[sflag:s24] =	ssyncset.done $0x0  }
0x2e: {  	[sflag:s24] =	ssyncadd.s32 $0xFFFFFB1E  }
0x2f: {  	[bflag:$0x0] =	sbarrier.arrive $0xFFFF  }
0x30: {  	s8 =	rddreg [dreg:$0xe]  }
0x31: {  	[tilespmem:s25], [sflag:$0x2] =	stream.linear.gather [hbm4b:s8+s4], $0x50, $0x38;
	[tilespmem:$0x1BA30] =	vst v63  }
0x32: {  	s7 =	simm.s32 $0x28A0;
	s9 =	rddreg [dreg:$0xf]  }
0x33: {  	[tilespmem:s7], [sflag:$0x2] =	stream.linear.gather [hbm4b:s9+s4], $0x2800, $0x38;
	[tilespmem:$0x1BA30] =	vst v63  }
0x34: {  	s12 =	simm.s32 $0x55A0;
	s11 =	rddreg [dreg:$0x10]  }
0x35: {  	[tilespmem:s12], [sflag:$0x2] =	stream.linear.gather [hbm4b:s11+s4], $0x500, $0x38;
	[tilespmem:$0x1BA30] =	vst v63  }
0x36: {  	_ =	swait.ge [sflag:s30], $0x50  }
0x37: {  	[sflag:s30] =	ssyncset.done $0x0  }
0x38: {  	[sflag:s30] =	ssyncadd.s32 $0xFFFFFFB0  }
0x39: {  	_ =	swait.ge [sflag:s30], $0x2800  }
0x3a: {  	[sflag:s30] =	ssyncset.done $0x0  }
0x3b: {  	[sflag:s30] =	ssyncadd.s32 $0xFFFFD800  }
0x3c: {  	_ =	swait.ge [sflag:s30], $0x500  }
0x3d: {  	s11 =	sand.u32 $0x1, s30;
	[sflag:s30] =	ssyncset.done $0x0  }
0x3e: {  	s13 =	sxor.u32 $0x1, s11;
	[sflag:s30] =	ssyncadd.s32 $0xFFFFFB00  }
0x3f: {  	[spmem:s2] =	stream.indirect.scatter.add.f32 [tilespmem:s6], [sflag:$0x3], $0x80, s4, s25, $0xb8;
	[tilespmem:$0x1BA30] =	vst v63  }
0x40: {  	s14 =	sadd.s32 $0x3, s13  }
0x41: {  	[spmem:s3] =	stream.indirect.scatter.add.f32 [tilespmem:s23], [sflag:$0x3], $0x10, s4, s25, $0xb8;
	[tilespmem:$0x1BA30] =	vst v63  }
0x42: {  	_ =	swait.ge [sflag:s14], $0x2800  }
0x43: {  	[sflag:s14] =	ssyncset.done $0x0  }
0x44: {  	s15 =	smul.u32 $0x140, s13;
	[sflag:s14] =	ssyncadd.s32 $0xFFFFD800  }
0x45: {  	s8 =	smul.u32 $0xA000, s13;
	_ =	swait.ge [sflag:s14], $0x500  }
0x46: {  	s12 =	sadd.s32 $0x1, s13;
	s5 =	smul.u32 $0x1400, s13;
	[sflag:s14] =	ssyncset.done $0x0  }
0x47: {  	s7 =	sshrl.u32 s15, $0x2;
	s16 =	sshrl.u32 s8, $0x2;
	[sflag:s14] =	ssyncadd.s32 $0xFFFFFB00  }
0x48: {  	[tilespmem:s7], [sflag:s12] =	stream.linear.gather [hbm4b:s21+s4], $0x50, $0x38;
	[tilespmem:$0x1BA30] =	vst v63  }
0x49: {  	s17 =	smul.u32 $0xA000, s11;
	s5 =	sshrl.u32 s5, $0x2;
	s6 =	sor.u32 $0xA0, s16  }
0x4a: {  	[tilespmem:s6], [sflag:s12] =	stream.linear.gather [hbm4b:s20+s4], $0x2800, $0x38;
	[tilespmem:$0x1BA30] =	vst v63  }
0x4b: {  	s9 =	sadd.s32 $0x1, s11;
	s18 =	smul.u32 $0x140, s11;
	s5 =	sor.u32 $0x50A0, s5  }
0x4c: {  	[tilespmem:s5], [sflag:s12] =	stream.linear.gather [hbm4b:s19+s4], $0x500, $0x38;
	[tilespmem:$0x1BA30] =	vst v63  }
0x4d: {  	s22 =	smul.u32 $0x1400, s11;
	_ =	swait.ge [sflag:s9], $0x50  }
0x4e: {  	s17 =	sshrl.u32 s17, $0x2;
	[sflag:s9] =	ssyncset.done $0x0  }
0x4f: {  	s13 =	sshrl.u32 s18, $0x2;
	s8 =	sshrl.u32 s22, $0x2;
	[sflag:s9] =	ssyncadd.s32 $0xFFFFFFB0  }
0x50: {  	s15 =	sadd.s32 $0x3, s11;
	s16 =	simm.s32 $0x2;
	_ =	swait.ge [sflag:s9], $0x2800  }
0x51: {  	s28 =	sand.u32 $0x1, s16;
	s16 =	sor.u32 $0xA0, s17;
	[sflag:s9] =	ssyncset.done $0x0  }
0x52: {  	s11 =	sxor.u32 $0x1, s28;
	s14 =	simm.s32 $0x3;
	[sflag:s9] =	ssyncadd.s32 $0xFFFFD800  }
0x53: {  	s7 =	sadd.s32 $0xA, s21;
	s6 =	sadd.s32 $0x500, s20;
	_ =	swait.ge [sflag:s9], $0x500  }
0x54: {  	s5 =	sadd.s32 $0xA0, s19;
	s12 =	smul.u32 $0xA000, s28;
	[sflag:s9] =	ssyncset.done $0x0  }
.LBB2_2:
0x55: {  	s17 =	smul.u32 $0x140, s28  }
0x56: {  	s8 =	sor.u32 $0x50A0, s8;
	[sflag:s9] =	ssyncadd.s32 $0xFFFFFB00;
	s18 =	smov.u32 s14  }
0x57: {  	[spmem:s2] =	stream.indirect.scatter.add.f32 [tilespmem:s16], [sflag:s15], $0x80, s13, s25, $0xb8;
	[tilespmem:$0x1BA30] =	vst v63  }
0x58: {  	s9 =	sadd.s32 $0x3, s11;
	s12 =	sshrl.u32 s12, $0x2;
	s16 =	smul.u32 $0x1400, s28  }
0x59: {  	[spmem:s3] =	stream.indirect.scatter.add.f32 [tilespmem:s8], [sflag:s15], $0x10, s13, s25, $0xb8;
	[tilespmem:$0x1BA30] =	vst v63  }
0x5a: {  	s22 =	sadd.s32 $0x1, s14;
	s8 =	sshrl.u32 s16, $0x2;
	_ =	swait.ge [sflag:s9], $0x2800  }
0x5b: {  	p0 =	sne.s32 s14, $0x7B;
	[sflag:s9] =	ssyncset.done $0x0  }
0x5c: {  	s13 =	smul.u32 $0x140, s11;
	[sflag:s9] =	ssyncadd.s32 $0xFFFFD800  }
0x5d: {  	s14 =	smul.u32 $0xA000, s11;
	_ =	swait.ge [sflag:s9], $0x500  }
0x5e: {  	s15 =	sadd.s32 $0x1, s11;
	s13 =	sshrl.u32 s13, $0x2;
	[sflag:s9] =	ssyncset.done $0x0  }
0x5f: {  	s11 =	smul.u32 $0x1400, s11;
	[sflag:s9] =	ssyncadd.s32 $0xFFFFFB00;
	s9 =	sshrl.u32 s14, $0x2  }
0x60: {  	[tilespmem:s13], [sflag:s15] =	stream.linear.gather [hbm4b:s7+s4], $0x50, $0x38;
	[tilespmem:$0x1BA30] =	vst v63  }
0x61: {  	s11 =	sshrl.u32 s11, $0x2;
	s9 =	sor.u32 $0xA0, s9  }
0x62: {  	[tilespmem:s9], [sflag:s15] =	stream.linear.gather [hbm4b:s6+s4], $0x2800, $0x38;
	[tilespmem:$0x1BA30] =	vst v63  }
0x63: {  	s11 =	sor.u32 $0x50A0, s11;
	s9 =	sadd.s32 $0x1, s28  }
0x64: {  	[tilespmem:s11], [sflag:s15] =	stream.linear.gather [hbm4b:s5+s4], $0x500, $0x38;
	[tilespmem:$0x1BA30] =	vst v63  }
0x65: {  	_ =	swait.ge [sflag:s9], $0x50  }
0x66: {  	[sflag:s9] =	ssyncset.done $0x0  }
0x67: {  	s16 =	sor.u32 $0xA0, s12;
	[sflag:s9] =	ssyncadd.s32 $0xFFFFFFB0  }
.Ltmp0:
0x68: {  	s7 =	sadd.s32 $0xA, s7;
	_ =	swait.ge [sflag:s9], $0x2800;
	(pc) =	sbr.rel @p0 .LBB2_2-.Ltmp0, $4  }
0x69: {  	s6 =	sadd.s32 $0x500, s6;
	s5 =	sadd.s32 $0xA0, s5;
	[sflag:s9] =	ssyncset.done $0x0  }
0x6a: {  	s13 =	sshrl.u32 s17, $0x2;
	s15 =	sadd.s32 $0x3, s28;
	[sflag:s9] =	ssyncadd.s32 $0xFFFFD800  }
0x6b: {  	s14 =	smov.u32 s22;
	s28 =	sand.u32 $0x1, s18;
	_ =	swait.ge [sflag:s9], $0x500  }
0x6c: {  	s11 =	sxor.u32 $0x1, s28;
	s12 =	smul.u32 $0xA000, s28;
	[sflag:s9] =	ssyncset.done $0x0  }
0x6d: {  	[sflag:s9] =	ssyncadd.s32 $0xFFFFFB00  }
0x6e: {  	[spmem:s2] =	stream.indirect.scatter.add.f32 [tilespmem:s16], [sflag:s15], $0x80, s13, s25, $0xb8;
	[tilespmem:$0x1BA30] =	vst v63  }
0x6f: {  	s8 =	sor.u32 $0x50A0, s8;
	s14 =	sadd.s32 $0x3, s11  }
0x70: {  	[spmem:s3] =	stream.indirect.scatter.add.f32 [tilespmem:s8], [sflag:s15], $0x10, s13, s25, $0xb8;
	[tilespmem:$0x1BA30] =	vst v63  }
0x71: {  	_ =	swait.ge [sflag:s14], $0x2800  }
0x72: {  	[sflag:s14] =	ssyncset.done $0x0  }
0x73: {  	s16 =	smul.u32 $0xA000, s11;
	[sflag:s14] =	ssyncadd.s32 $0xFFFFD800  }
0x74: {  	s15 =	smul.u32 $0x140, s11;
	_ =	swait.ge [sflag:s14], $0x500  }
0x75: {  	s17 =	sadd.s32 $0x1, s11;
	s22 =	smul.u32 $0x1400, s11;
	[sflag:s14] =	ssyncset.done $0x0  }
0x76: {  	s18 =	sshrl.u32 s16, $0x2;
	s9 =	sshrl.u32 s15, $0x2;
	[sflag:s14] =	ssyncadd.s32 $0xFFFFFB00  }
0x77: {  	[tilespmem:s9], [sflag:s17] =	stream.linear.gather [hbm4b:s7+s4], $0x50, $0x38;
	[tilespmem:$0x1BA30] =	vst v63  }
0x78: {  	s11 =	sshrl.u32 s22, $0x2;
	s7 =	sor.u32 $0xA0, s18  }
0x79: {  	[tilespmem:s7], [sflag:s17] =	stream.linear.gather [hbm4b:s6+s4], $0x2800, $0x38;
	[tilespmem:$0x1BA30] =	vst v63  }
0x7a: {  	s13 =	sadd.s32 $0x1, s28;
	s6 =	sor.u32 $0x50A0, s11  }
0x7b: {  	[tilespmem:s6], [sflag:s17] =	stream.linear.gather [hbm4b:s5+s4], $0x500, $0x38;
	[tilespmem:$0x1BA30] =	vst v63  }
0x7c: {  	_ =	swait.ge [sflag:s13], $0x50  }
0x7d: {  	[sflag:s13] =	ssyncset.done $0x0  }
0x7e: {  	[sflag:s13] =	ssyncadd.s32 $0xFFFFFFB0  }
0x7f: {  	_ =	swait.ge [sflag:s13], $0x2800  }
0x80: {  	[sflag:s13] =	ssyncset.done $0x0  }
0x81: {  	s14 =	smul.u32 $0x140, s28;
	[sflag:s13] =	ssyncadd.s32 $0xFFFFD800  }
0x82: {  	s16 =	smul.u32 $0x1400, s28;
	s15 =	sshrl.u32 s12, $0x2;
	_ =	swait.ge [sflag:s13], $0x500  }
0x83: {  	s7 =	sor.u32 $0xA0, s15;
	s6 =	sshrl.u32 s14, $0x2;
	[sflag:s13] =	ssyncset.done $0x0  }
0x84: {  	s17 =	sadd.s32 $0x3, s28;
	s5 =	sshrl.u32 s16, $0x2;
	[sflag:s13] =	ssyncadd.s32 $0xFFFFFB00  }
0x85: {  	[spmem:s2] =	stream.indirect.scatter.add.f32 [tilespmem:s7], [sflag:s17], $0x80, s6, s25, $0xb8;
	[tilespmem:$0x1BA30] =	vst v63  }
0x86: {  	s5 =	sor.u32 $0x50A0, s5  }
0x87: {  	[spmem:s3] =	stream.indirect.scatter.add.f32 [tilespmem:s5], [sflag:s17], $0x10, s6, s25, $0xb8;
	[tilespmem:$0x1BA30] =	vst v63  }
0x88: {  	_ =	swait.ge [sflag:s29], $0x2800  }
0x89: {  	[sflag:s29] =	ssyncset.done $0x0  }
0x8a: {  	[sflag:s29] =	ssyncadd.s32 $0xFFFFD800  }
0x8b: {  	_ =	swait.ge [sflag:s29], $0x500  }
0x8c: {  	[sflag:s29] =	ssyncset.done $0x0  }
0x8d: {  	[sflag:s29] =	ssyncadd.s32 $0xFFFFFB00  }
0x8e: {  	_ =	swait.ge [sflag:s30], $0x50  }
0x8f: {  	[sflag:s30] =	ssyncset.done $0x0  }
0x90: {  	[sflag:s30] =	ssyncadd.s32 $0xFFFFFFB0  }
0x91: {  	_ =	swait.ge [sflag:s30], $0x2800  }
0x92: {  	[sflag:s30] =	ssyncset.done $0x0  }
0x93: {  	[sflag:s30] =	ssyncadd.s32 $0xFFFFD800  }
0x94: {  	_ =	swait.ge [sflag:s30], $0x500  }
0x95: {  	[sflag:s30] =	ssyncset.done $0x0  }
0x96: {  	s6 =	simm.s32 $0xA0;
	[sflag:s30] =	ssyncadd.s32 $0xFFFFFB00  }
0x97: {  	[spmem:s2] =	stream.indirect.scatter.add.f32 [tilespmem:s6], [sflag:$0x3], $0x80, s4, s25, $0xb8;
	[tilespmem:$0x1BA30] =	vst v63  }
0x98: {  	_ = 	snop  }
0x99: {  	[spmem:s3] =	stream.indirect.scatter.add.f32 [tilespmem:s23], [sflag:$0x3], $0x10, s4, s25, $0xb8;
	[tilespmem:$0x1BA30] =	vst v63  }
0x9a: {  	_ =	swait.ge [sflag:s31], $0x2800  }
0x9b: {  	[sflag:s31] =	ssyncset.done $0x0  }
0x9c: {  	[sflag:s31] =	ssyncadd.s32 $0xFFFFD800  }
0x9d: {  	_ =	swait.ge [sflag:s31], $0x500  }
0x9e: {  	[sflag:s31] =	ssyncset.done $0x0  }
0x9f: {  	[sflag:s31] =	ssyncadd.s32 $0xFFFFFB00  }
0xa0: {  	[bflag:$0x0] =	sbarrier.arrive $0xFFFF  }
0xa1: {  	s18 =	rddreg [dreg:$0xb]  }
0xa2: {  	[hbm:s18], [sflag:s10] =	dma.local [spmem:s1], $0x2710  }
0xa3: {  	_ =	swait.ge [sflag:s24], $0x2710  }
0xa4: {  	[sflag:s24] =	ssyncset.done $0x0  }
0xa5: {  	s22 =	rddreg [dreg:$0xc];
	[sflag:s24] =	ssyncadd.s32 $0xFFFFD8F0  }
0xa6: {  	[hbm:s22], [sflag:s10] =	dma.local [spmem:s26], $0x4E2  }
0xa7: {  	_ =	swait.ge [sflag:s24], $0x4E2  }
0xa8: {  	s0 =	sadd.s32 $0x1, s0;
	s28 =	rddreg [dreg:$0xd]  }
0xa9: {  	p0 =	sne.s32 s0, s28  }
.Ltmp1:
0xaa: {  	_ = 	snop;
	(pc) =	sbr.rel @p0 .LBB2_1-.Ltmp1, $3  }
0xab: {  	_ =	sdelay $0x1  }
0xac: {  	[sflag:s24] =	ssyncset.done $0x0  }
0xad: {  	[sflag:s24] =	ssyncadd.s32 $0xFFFFFB1E  }
0xae: {  	_ =	sfence.sel $0x180000  }
0xaf: {  	[bflag:$0x0] =	sbarrier.arrive $0xFFFF  }
0xb0: {  	_ =	strace $0x9000004A  }
0xb1: {  	s0 =	stileid.u32;
	[bflag:$0x2] =	sbarrier.arrive $0xFFFF  }
0xb2: {  	p0 =	sne.s32 s0, $0x0;
	s0 =	rddreg [dreg:$0x3]  }
0xb3: {  	s0 =	sadd.s32 @!p0 $0x100000, s0  }
0xb4: {  	[sflag:s0] =	ssyncadd.tile.s32 @!p0 $0x1;
	_ =	shalt  }
.Lfunc_end2:
_tile_overlayer_lowered:
.L_overlay_start_2:
0xb5: {  	(tag) =	ssettag $0x2  }
0xb6: {  	s0 =	rddreg [dreg:$0x0];
	s2 =	stileid.u32  }
0xb7: {  	s1 =	rddreg [dreg:$0x1];
	p0 =	sne.s32 s2, $0x0  }
0xb8: {  	s3 =	rddreg [dreg:$0x2];
	[bflag:$0x3] =	sbarrier.arrive $0xFFFF;
	s2 =	simm.s32 @!p0 $0x1C05  }
0xb9: {  	[timem:s3], [sflag:s2] =	dma.local @!p0 [hbm:s0], s1  }
0xba: {  	s0 =	simm.s32 @!p0 $0x5  }
0xbb: {  	_ =	swait.ge @!p0 [sflag:s0], s1  }
0xbc: {  	s1 =	ssub.s32 @!p0 $0x0, s1;
	[sflag:s0] =	ssyncset.done @!p0 $0x0  }
0xbd: {  	[sflag:s0] =	ssyncadd.s32 @!p0 s1  }
0xbe: {  	[bflag:$0x3] =	sbarrier.arrive $0xFFFF  }
0xbf: {  	_ =	shalt  }

</sc_bundles>
